<compile_context>
chip_gen: v7x
topology: tpu7x:2x2x1
jax: 0.10.2.dev20260603
libtpu: 0.0.44.dev20260713+nightly
codegen_flags: <defaults>
</compile_context>

<pallas_src>
import functools

import jax
import jax.numpy as jnp
from jax import lax
from jax.experimental import pallas as pl
from jax.experimental.pallas import tpu as pltpu
from jax.experimental.pallas import tpu_sc as plsc

_LANES = 16
_NUM_CORES = 2
_NUM_SUBCORES = 16
_NW = _NUM_CORES * _NUM_SUBCORES
_SB = 8
_BB = 128
_SP = 2


_TBLK = 2048


@functools.lru_cache(maxsize=None)
def _table_prep(V, D):
    grid = (V + 2 * _TBLK - 1) // (2 * _TBLK)

    def body(lo_ref, hi_ref, o_ref):
        o_ref[...] = jnp.concatenate([lo_ref[...].T, hi_ref[...].T], axis=1)

    nblk_in = (V + _TBLK - 1) // _TBLK
    return pl.pallas_call(
        body,
        grid=(grid,),
        in_specs=[
            pl.BlockSpec((D, _TBLK), lambda i: (0, jnp.minimum(2 * i, nblk_in - 1))),
            pl.BlockSpec((D, _TBLK), lambda i: (0, jnp.minimum(2 * i + 1, nblk_in - 1))),
        ],
        out_specs=pl.BlockSpec((_TBLK, 2 * D), lambda i: (i, 0)),
        out_shape=jax.ShapeDtypeStruct((grid * _TBLK, 2 * D), jnp.float32),
    )


@functools.lru_cache(maxsize=None)
def _build(B, S, D):
    n_st = S // _SB
    n_bt = B // _BB
    n_sp = _SB // _SP
    CH = _SP * _BB
    n_units = n_st * n_bt * n_sp
    units_per_w = n_units // _NW
    mesh = plsc.VectorSubcoreMesh(core_axis_name="c", subcore_axis_name="s")

    @functools.partial(
        pl.kernel,
        out_type=jax.ShapeDtypeStruct((B, S, 2 * D), jnp.float32),
        mesh=mesh,
        compiler_params=pltpu.CompilerParams(use_tc_tiling_on_sc=False),
        scratch_types=[
            [pltpu.VMEM((CH,), jnp.int32) for _ in range(2)],
            [pltpu.VMEM((CH, D), jnp.float32) for _ in range(2)],
            [pltpu.VMEM((_BB, _SP, D), jnp.float32) for _ in range(2)],
            pltpu.VMEM((S * D,), jnp.float32),
            [pltpu.SemaphoreType.DMA for _ in range(2)],
            [pltpu.SemaphoreType.DMA for _ in range(2)],
            [pltpu.SemaphoreType.DMA for _ in range(2)],
        ],
    )
    def emb_kernel(xt_hbm, pos_hbm, table_hbm, out_hbm, idx_v, rows_v, stage_v,
                   pos_v, isem, gsem, osem):
        wid = lax.axis_index("s") * _NUM_CORES + lax.axis_index("c")
        ubase = wid * units_per_w
        pltpu.sync_copy(pos_hbm, pos_v)

        def out_slices(uid):
            st = uid // (n_bt * n_sp)
            rem = uid % (n_bt * n_sp)
            bt = rem // n_sp
            sp = rem % n_sp
            return (pl.ds(bt * _BB, _BB), pl.ds(st * _SB + sp * _SP, _SP))

        def start_idx(i, p):
            uid = ubase + i
            pltpu.async_copy(xt_hbm.at[pl.ds(uid * CH, CH)], idx_v[p], isem[p])

        def start_gather(p):
            pltpu.async_copy(table_hbm.at[idx_v[p]], rows_v[p], gsem[p])

        def start_out(i, p):
            bsl, ssl = out_slices(ubase + i)
            pltpu.async_copy(stage_v[p], out_hbm.at[bsl, ssl, pl.ds(0, D)], osem[p])

        def wait_in(sem, hbm_src, vmem_dst):
            pltpu.make_async_copy(hbm_src, vmem_dst, sem).wait()

        def wait_out(p):
            bsl, ssl = out_slices(ubase)
            pltpu.make_async_copy(stage_v[p], out_hbm.at[bsl, ssl, pl.ds(0, D)],
                                  osem[p]).wait()

        def compute(i, p):
            uid = ubase + i
            st = uid // (n_bt * n_sp)
            sp = uid % n_sp
            rows = rows_v[p]
            stage = stage_v[p]
            pvs = [[pos_v[pl.ds((st * _SB + sp * _SP + sr) * D + c * _LANES,
                                _LANES)]
                    for c in range(D // _LANES)] for sr in range(_SP)]

            @plsc.parallel_loop(0, _BB, unroll=4)
            def b_body(br):
                for sr in range(_SP):
                    for c in range(D // _LANES):
                        r = rows[sr * _BB + br, pl.ds(c * _LANES, _LANES)]
                        stage[br, sr, pl.ds(c * _LANES, _LANES)] = (
                            r * 8.0 + pvs[sr][c])

        start_idx(0, 0)
        start_idx(1, 1)
        wait_in(isem[0], xt_hbm.at[pl.ds(0, CH)], idx_v[0])
        start_gather(0)

        def unit_pair(j, _):
            i0 = 2 * j
            for p in range(2):
                i = i0 + p
                q = 1 - p
                @pl.when(i + 1 < units_per_w)
                def _():
                    wait_in(isem[q], xt_hbm.at[pl.ds(0, CH)], idx_v[q])
                    start_gather(q)
                wait_in(gsem[p], table_hbm.at[pl.ds(0, CH)], rows_v[p])
                @pl.when(i + 2 < units_per_w)
                def _():
                    start_idx(i + 2, p)
                @pl.when(i >= 2)
                def _():
                    wait_out(p)
                compute(i, p)
                start_out(i, p)
            return 0

        lax.fori_loop(0, units_per_w // 2, unit_pair, 0)
        wait_out(0)
        wait_out(1)

    return emb_kernel


def kernel(x, table, pos_enc, training):
    B, S = x.shape
    V, D = table.shape
    pos = pos_enc[0, :S, :].reshape(S * D)
    xt = (x.reshape(B // _BB, _BB, S // _SB, _SB)
          .transpose(2, 0, 3, 1).reshape(B * S))
    g = xt >> 11
    xt = ((g >> 1) << 12) + ((xt & 2047) << 1) + (g & 1)
    tblT = table.T
    tbl = _table_prep(V, D)(tblT, tblT)
    tbl = tbl.reshape(tbl.shape[0] * 2, D)
    out = _build(B, S, D)(xt, pos, tbl)
    return out[:, :, :D]

# --- scband reference (transcript-rebuilt; emitter-appended) ---
"""Pipeline reference for scband-embedding-layer-31971736551616 (READ-ONLY COPY).

The authoritative reference and input builder live on the scoring server;
editing this copy changes nothing except your own understanding.
"""

import jax, jax.numpy as jnp
import numpy as np

EMBED_DIM = 64
VOCAB = 1000000
MAX_POS = 512
BATCH = 4096
SEQ = 200


def positional_encoding(position, d_model):
    pos = np.arange(position)[:, None].astype(np.float32)
    i = np.arange(d_model)[None, :].astype(np.float32)
    angle_rates = 1.0 / np.power(10000.0, (2.0 * np.floor(i / 2.0)) / np.float32(d_model))
    angle_rads = pos * angle_rates
    angle_rads[:, 0::2] = np.sin(angle_rads[:, 0::2])
    angle_rads[:, 1::2] = np.cos(angle_rads[:, 1::2])
    return jnp.asarray(angle_rads[None, ...], dtype=jnp.float32)  # [1, MAX_POS, d_model]


def setup_inputs(seed: int = 0) -> dict:
    key = jax.random.key(seed)
    k1, k2 = jax.random.split(key)
    x = jax.random.randint(k1, (BATCH, SEQ), 0, VOCAB, dtype=jnp.int32)
    # 'uniform' keras initializer: U(-0.05, 0.05)
    table = jax.random.uniform(k2, (VOCAB, EMBED_DIM), dtype=jnp.float32, minval=-0.05, maxval=0.05)
    pos_enc = positional_encoding(MAX_POS, EMBED_DIM)
    return {"x": x, "table": table, "pos_enc": pos_enc, "training": False}


def reference(x, table, pos_enc, training):
    # Embedding lookup (gather)
    seq_len = x.shape[1]
    out = jnp.take(table, x, axis=0)  # [B, S, D]
    out = out * jnp.sqrt(jnp.asarray(EMBED_DIM, dtype=jnp.float32))
    out = out + pos_enc[:, :seq_len, :]
    # Dropout is identity at inference (training=False)
    return out

if __name__ == "__main__":
    import jax
    _d = setup_inputs()
    print(jax.jit(kernel)(*tuple(_d.values())))

</pallas_src>

<mosaic_0001>
#map = affine_map<(d0, d1) -> (0)>
#map1 = affine_map<(d0, d1) -> (0, 0)>
#map2 = affine_map<(d0, d1) -> (0, 0, 0)>
module attributes {stable_mosaic.version = 14 : i64} {
  func.func @emb_kernel(%arg0: i32, %arg1: i32, %arg2: memref<819200xi32, #tpu.memory_space<hbm>>, %arg3: memref<12800xf32, #tpu.memory_space<hbm>>, %arg4: memref<1003520x64xf32, #tpu.memory_space<hbm>>, %arg5: memref<4096x200x128xf32, #tpu.memory_space<hbm>>, %arg6: memref<256xi32, #tpu.memory_space<vmem>>, %arg7: memref<256xi32, #tpu.memory_space<vmem>>, %arg8: memref<256x64xf32, #tpu.memory_space<vmem>>, %arg9: memref<256x64xf32, #tpu.memory_space<vmem>>, %arg10: memref<128x2x64xf32, #tpu.memory_space<vmem>>, %arg11: memref<128x2x64xf32, #tpu.memory_space<vmem>>, %arg12: memref<12800xf32, #tpu.memory_space<vmem>>, %arg13: memref<!tpu.dma_semaphore, #tpu.memory_space<semaphore_mem>>, %arg14: memref<!tpu.dma_semaphore, #tpu.memory_space<semaphore_mem>>, %arg15: memref<!tpu.dma_semaphore, #tpu.memory_space<semaphore_mem>>, %arg16: memref<!tpu.dma_semaphore, #tpu.memory_space<semaphore_mem>>, %arg17: memref<!tpu.dma_semaphore, #tpu.memory_space<semaphore_mem>>, %arg18: memref<!tpu.dma_semaphore, #tpu.memory_space<semaphore_mem>>) attributes {dimension_semantics = [#tpu.dimension_semantics<core_parallel>, #tpu.dimension_semantics<subcore_parallel>], iteration_bounds = array<i64: 2, 16>, scalar_prefetch = 0 : i64, scratch_operands = 13 : i64, tpu.core_type = #tpu.core_type<sc_vector_subcore>, window_params = [{transform_indices = #map}, {transform_indices = #map}, {transform_indices = #map1}, {transform_indices = #map2}]} {
    %mul3A = arith.constant 2 : i32
    %mul3A_0 = arith.muli %arg1, %mul3A : i32
    %add3A = arith.addi %mul3A_0, %arg0 : i32
    %mul3A_1 = arith.constant 100 : i32
    %mul3A_2 = arith.muli %add3A, %mul3A_1 : i32
    "tpu.region"() ({
      %run_scoped3A = tpu.sem_alloc : memref<!tpu.dma_semaphore, #tpu.memory_space<semaphore_mem>>
      tpu.enqueue_dma source(%arg3 : memref<12800xf32, #tpu.memory_space<hbm>>) target(%arg12 : memref<12800xf32, #tpu.memory_space<vmem>>) target_semaphore(%run_scoped3A : memref<!tpu.dma_semaphore, #tpu.memory_space<semaphore_mem>>)
      tpu.wait_dma2 semaphore(%run_scoped3A : memref<!tpu.dma_semaphore, #tpu.memory_space<semaphore_mem>>) src(%arg3 : memref<12800xf32, #tpu.memory_space<hbm>>) dst(%arg12 : memref<12800xf32, #tpu.memory_space<vmem>>)
      tpu.yield
    }) : () -> ()
    %add3A_3 = arith.constant 0 : i32
    %add3A_4 = arith.addi %mul3A_2, %add3A_3 : i32
    %mul3A_5 = arith.constant 256 : i32
    %mul3A_6 = arith.muli %add3A_4, %mul3A_5 : i32
    %dma_start3A = tpu.memref_slice %arg2[%mul3A_6] : memref<819200xi32, #tpu.memory_space<hbm>> -> memref<256xi32, #tpu.memory_space<hbm>>
    %dma_start3A_7 = tpu.memref_slice %arg2[%mul3A_6] : memref<819200xi32, #tpu.memory_space<hbm>> -> memref<256xi32, #tpu.memory_space<hbm>>
    tpu.enqueue_dma source(%dma_start3A_7 : memref<256xi32, #tpu.memory_space<hbm>>) target(%arg6 : memref<256xi32, #tpu.memory_space<vmem>>) target_semaphore(%arg13 : memref<!tpu.dma_semaphore, #tpu.memory_space<semaphore_mem>>)
    %add3A_8 = arith.constant 1 : i32
    %add3A_9 = arith.addi %mul3A_2, %add3A_8 : i32
    %mul3A_10 = arith.constant 256 : i32
    %mul3A_11 = arith.muli %add3A_9, %mul3A_10 : i32
    %dma_start3A_12 = tpu.memref_slice %arg2[%mul3A_11] : memref<819200xi32, #tpu.memory_space<hbm>> -> memref<256xi32, #tpu.memory_space<hbm>>
    %dma_start3A_13 = tpu.memref_slice %arg2[%mul3A_11] : memref<819200xi32, #tpu.memory_space<hbm>> -> memref<256xi32, #tpu.memory_space<hbm>>
    tpu.enqueue_dma source(%dma_start3A_13 : memref<256xi32, #tpu.memory_space<hbm>>) target(%arg7 : memref<256xi32, #tpu.memory_space<vmem>>) target_semaphore(%arg14 : memref<!tpu.dma_semaphore, #tpu.memory_space<semaphore_mem>>)
    %dma_wait3A = arith.constant 0 : i32
    %dma_wait3A_14 = tpu.memref_slice %arg2[%dma_wait3A] : memref<819200xi32, #tpu.memory_space<hbm>> -> memref<256xi32, #tpu.memory_space<hbm>>
    %dma_wait3A_15 = arith.constant 0 : i32
    %dma_wait3A_16 = tpu.memref_slice %arg2[%dma_wait3A_15] : memref<819200xi32, #tpu.memory_space<hbm>> -> memref<256xi32, #tpu.memory_space<hbm>>
    tpu.wait_dma2 semaphore(%arg13 : memref<!tpu.dma_semaphore, #tpu.memory_space<semaphore_mem>>) src(%dma_wait3A_16 : memref<256xi32, #tpu.memory_space<hbm>>) dst(%arg6 : memref<256xi32, #tpu.memory_space<vmem>>)
    %dma_start3A_17 = arith.constant 0 : i32
    %dma_start3A_18 = arith.constant 0 : i32
    %dma_start3A_19 = tpu.memref_slice %arg4[%dma_start3A_17, %dma_start3A_18] : memref<1003520x64xf32, #tpu.memory_space<hbm>> -> memref<1003520x64xf32, #tpu.memory_space<hbm>>
    tpu.enqueue_indirect_dma source(%dma_start3A_19 : memref<1003520x64xf32, #tpu.memory_space<hbm>>) target(%arg8 : memref<256x64xf32, #tpu.memory_space<vmem>>) offsets(%arg6 : memref<256xi32, #tpu.memory_space<vmem>>) semaphore(%arg15 : memref<!tpu.dma_semaphore, #tpu.memory_space<semaphore_mem>>)
    %scan3A = arith.constant 0 : i32
    %scan3A_20 = arith.constant 0 : i32
    %scan3A_21 = arith.constant 50 : i32
    %scan3A_22 = arith.addi %scan3A_20, %scan3A_21 : i32
    %scan3A_23 = arith.constant 1 : i32
    %scan3A_24 = scf.for %scan3A_198 = %scan3A_20 to %scan3A_22 step %scan3A_23 iter_args(%scan3A_199 = %scan3A) -> (i32)  : i32 {
      %mul3A_200 = arith.constant 2 : i32
      %mul3A_201 = arith.muli %mul3A_200, %scan3A_198 : i32
      %add3A_202 = arith.constant 0 : i32
      %add3A_203 = arith.addi %mul3A_201, %add3A_202 : i32
      %add3A_204 = arith.constant 1 : i32
      %add3A_205 = arith.addi %add3A_203, %add3A_204 : i32
      %lt3A_206 = arith.constant 100 : i32
      %lt3A_207 = arith.cmpi slt, %add3A_205, %lt3A_206 : i32
      %convert_element_type3A = arith.extui %lt3A_207 : i1 to i32
      %cond3A = arith.constant 0 : i32
      %cond3A_208 = arith.cmpi ne, %convert_element_type3A, %cond3A : i32
      scf.if %cond3A_208 {
        %dma_wait3A_748 = arith.constant 0 : i32
        %dma_wait3A_749 = tpu.memref_slice %arg2[%dma_wait3A_748] : memref<819200xi32, #tpu.memory_space<hbm>> -> memref<256xi32, #tpu.memory_space<hbm>>
        %dma_wait3A_750 = arith.constant 0 : i32
        %dma_wait3A_751 = tpu.memref_slice %arg2[%dma_wait3A_750] : memref<819200xi32, #tpu.memory_space<hbm>> -> memref<256xi32, #tpu.memory_space<hbm>>
        tpu.wait_dma2 semaphore(%arg14 : memref<!tpu.dma_semaphore, #tpu.memory_space<semaphore_mem>>) src(%dma_wait3A_751 : memref<256xi32, #tpu.memory_space<hbm>>) dst(%arg7 : memref<256xi32, #tpu.memory_space<vmem>>)
        %dma_start3A_752 = arith.constant 0 : i32
        %dma_start3A_753 = arith.constant 0 : i32
        %dma_start3A_754 = tpu.memref_slice %arg4[%dma_start3A_752, %dma_start3A_753] : memref<1003520x64xf32, #tpu.memory_space<hbm>> -> memref<1003520x64xf32, #tpu.memory_space<hbm>>
        tpu.enqueue_indirect_dma source(%dma_start3A_754 : memref<1003520x64xf32, #tpu.memory_space<hbm>>) target(%arg9 : memref<256x64xf32, #tpu.memory_space<vmem>>) offsets(%arg7 : memref<256xi32, #tpu.memory_space<vmem>>) semaphore(%arg16 : memref<!tpu.dma_semaphore, #tpu.memory_space<semaphore_mem>>)
      } else {
      }
      %dma_wait3A_209 = arith.constant 0 : i32
      %dma_wait3A_210 = arith.constant 0 : i32
      %dma_wait3A_211 = tpu.memref_slice %arg4[%dma_wait3A_209, %dma_wait3A_210] : memref<1003520x64xf32, #tpu.memory_space<hbm>> -> memref<256x64xf32, #tpu.memory_space<hbm>>
      %dma_wait3A_212 = arith.constant 0 : i32
      %dma_wait3A_213 = arith.constant 0 : i32
      %dma_wait3A_214 = tpu.memref_slice %arg4[%dma_wait3A_212, %dma_wait3A_213] : memref<1003520x64xf32, #tpu.memory_space<hbm>> -> memref<256x64xf32, #tpu.memory_space<hbm>>
      tpu.wait_dma2 semaphore(%arg15 : memref<!tpu.dma_semaphore, #tpu.memory_space<semaphore_mem>>) src(%dma_wait3A_214 : memref<256x64xf32, #tpu.memory_space<hbm>>) dst(%arg8 : memref<256x64xf32, #tpu.memory_space<vmem>>)
      %add3A_215 = arith.constant 2 : i32
      %add3A_216 = arith.addi %add3A_203, %add3A_215 : i32
      %lt3A_217 = arith.constant 100 : i32
      %lt3A_218 = arith.cmpi slt, %add3A_216, %lt3A_217 : i32
      %convert_element_type3A_219 = arith.extui %lt3A_218 : i1 to i32
      %cond3A_220 = arith.constant 0 : i32
      %cond3A_221 = arith.cmpi ne, %convert_element_type3A_219, %cond3A_220 : i32
      scf.if %cond3A_221 {
        %add3A_748 = arith.constant 2 : i32
        %add3A_749 = arith.addi %add3A_203, %add3A_748 : i32
        %add3A_750 = arith.addi %mul3A_2, %add3A_749 : i32
        %mul3A_751 = arith.constant 256 : i32
        %mul3A_752 = arith.muli %add3A_750, %mul3A_751 : i32
        %dma_start3A_753 = tpu.memref_slice %arg2[%mul3A_752] : memref<819200xi32, #tpu.memory_space<hbm>> -> memref<256xi32, #tpu.memory_space<hbm>>
        %dma_start3A_754 = tpu.memref_slice %arg2[%mul3A_752] : memref<819200xi32, #tpu.memory_space<hbm>> -> memref<256xi32, #tpu.memory_space<hbm>>
        tpu.enqueue_dma source(%dma_start3A_754 : memref<256xi32, #tpu.memory_space<hbm>>) target(%arg6 : memref<256xi32, #tpu.memory_space<vmem>>) target_semaphore(%arg13 : memref<!tpu.dma_semaphore, #tpu.memory_space<semaphore_mem>>)
      } else {
      }
      %ge3A = arith.constant 2 : i32
      %ge3A_222 = arith.cmpi sge, %add3A_203, %ge3A : i32
      %convert_element_type3A_223 = arith.extui %ge3A_222 : i1 to i32
      %cond3A_224 = arith.constant 0 : i32
      %cond3A_225 = arith.cmpi ne, %convert_element_type3A_223, %cond3A_224 : i32
      scf.if %cond3A_225 {
        %jit3A_748 = arith.constant 128 : i32
        %div3A_749 = arith.divsi %mul3A_2, %jit3A_748 : i32
        %sign3A_750 = arith.constant 0 : i32
        %sign3A_751 = arith.cmpi sgt, %mul3A_2, %sign3A_750 : i32
        %sign3A_752 = arith.extui %sign3A_751 : i1 to i32
        %sign3A_753 = arith.constant 0 : i32
        %sign3A_754 = arith.cmpi slt, %mul3A_2, %sign3A_753 : i32
        %sign3A_755 = arith.extui %sign3A_754 : i1 to i32
        %sign3A_756 = arith.subi %sign3A_752, %sign3A_755 : i32
        %sign3A_757 = arith.constant 0 : i32
        %sign3A_758 = arith.cmpi sgt, %jit3A_748, %sign3A_757 : i32
        %sign3A_759 = arith.extui %sign3A_758 : i1 to i32
        %sign3A_760 = arith.constant 0 : i32
        %sign3A_761 = arith.cmpi slt, %jit3A_748, %sign3A_760 : i32
        %sign3A_762 = arith.extui %sign3A_761 : i1 to i32
        %sign3A_763 = arith.subi %sign3A_759, %sign3A_762 : i32
        %ne3A_764 = arith.cmpi ne, %sign3A_756, %sign3A_763 : i32
        %rem3A_765 = arith.remsi %mul3A_2, %jit3A_748 : i32
        %ne3A_766 = arith.constant 0 : i32
        %ne3A_767 = arith.cmpi ne, %rem3A_765, %ne3A_766 : i32
        %and3A_768 = arith.andi %ne3A_764, %ne3A_767 : i1
        %sub3A_769 = arith.constant 1 : i32
        %sub3A_770 = arith.subi %div3A_749, %sub3A_769 : i32
        %select_n3A_771 = arith.select %and3A_768, %sub3A_770, %div3A_749 : i32
        %jit3A_772 = arith.constant 128 : i32
        %eq3A_773 = arith.constant 0 : i32
        %eq3A_774 = arith.cmpi eq, %jit3A_772, %eq3A_773 : i32
        %jit3A_775 = arith.constant 1 : i32
        %select_n3A_776 = arith.select %eq3A_774, %jit3A_775, %jit3A_772 : i32
        %rem3A_777 = arith.remsi %mul3A_2, %select_n3A_776 : i32
        %ne3A_778 = arith.constant 0 : i32
        %ne3A_779 = arith.cmpi ne, %rem3A_777, %ne3A_778 : i32
        %lt3A_780 = arith.constant 0 : i32
        %lt3A_781 = arith.cmpi slt, %rem3A_777, %lt3A_780 : i32
        %lt3A_782 = arith.constant 0 : i32
        %lt3A_783 = arith.cmpi slt, %select_n3A_776, %lt3A_782 : i32
        %ne3A_784 = arith.xori %lt3A_781, %lt3A_783 : i1
        %and3A_785 = arith.andi %ne3A_784, %ne3A_779 : i1
        %add3A_786 = arith.addi %rem3A_777, %select_n3A_776 : i32
        %select_n3A_787 = arith.select %and3A_785, %add3A_786, %rem3A_777 : i32
        %jit3A_788 = arith.constant 4 : i32
        %div3A_789 = arith.divsi %select_n3A_787, %jit3A_788 : i32
        %sign3A_790 = arith.constant 0 : i32
        %sign3A_791 = arith.cmpi sgt, %select_n3A_787, %sign3A_790 : i32
        %sign3A_792 = arith.extui %sign3A_791 : i1 to i32
        %sign3A_793 = arith.constant 0 : i32
        %sign3A_794 = arith.cmpi slt, %select_n3A_787, %sign3A_793 : i32
        %sign3A_795 = arith.extui %sign3A_794 : i1 to i32
        %sign3A_796 = arith.subi %sign3A_792, %sign3A_795 : i32
        %sign3A_797 = arith.constant 0 : i32
        %sign3A_798 = arith.cmpi sgt, %jit3A_788, %sign3A_797 : i32
        %sign3A_799 = arith.extui %sign3A_798 : i1 to i32
        %sign3A_800 = arith.constant 0 : i32
        %sign3A_801 = arith.cmpi slt, %jit3A_788, %sign3A_800 : i32
        %sign3A_802 = arith.extui %sign3A_801 : i1 to i32
        %sign3A_803 = arith.subi %sign3A_799, %sign3A_802 : i32
        %ne3A_804 = arith.cmpi ne, %sign3A_796, %sign3A_803 : i32
        %rem3A_805 = arith.remsi %select_n3A_787, %jit3A_788 : i32
        %ne3A_806 = arith.constant 0 : i32
        %ne3A_807 = arith.cmpi ne, %rem3A_805, %ne3A_806 : i32
        %and3A_808 = arith.andi %ne3A_804, %ne3A_807 : i1
        %sub3A_809 = arith.constant 1 : i32
        %sub3A_810 = arith.subi %div3A_789, %sub3A_809 : i32
        %select_n3A_811 = arith.select %and3A_808, %sub3A_810, %div3A_789 : i32
        %jit3A_812 = arith.constant 4 : i32
        %eq3A_813 = arith.constant 0 : i32
        %eq3A_814 = arith.cmpi eq, %jit3A_812, %eq3A_813 : i32
        %jit3A_815 = arith.constant 1 : i32
        %select_n3A_816 = arith.select %eq3A_814, %jit3A_815, %jit3A_812 : i32
        %rem3A_817 = arith.remsi %select_n3A_787, %select_n3A_816 : i32
        %ne3A_818 = arith.constant 0 : i32
        %ne3A_819 = arith.cmpi ne, %rem3A_817, %ne3A_818 : i32
        %lt3A_820 = arith.constant 0 : i32
        %lt3A_821 = arith.cmpi slt, %rem3A_817, %lt3A_820 : i32
        %lt3A_822 = arith.constant 0 : i32
        %lt3A_823 = arith.cmpi slt, %select_n3A_816, %lt3A_822 : i32
        %ne3A_824 = arith.xori %lt3A_821, %lt3A_823 : i1
        %and3A_825 = arith.andi %ne3A_824, %ne3A_819 : i1
        %add3A_826 = arith.addi %rem3A_817, %select_n3A_816 : i32
        %select_n3A_827 = arith.select %and3A_825, %add3A_826, %rem3A_817 : i32
        %mul3A_828 = arith.constant 128 : i32
        %mul3A_829 = arith.muli %select_n3A_811, %mul3A_828 : i32
        %mul3A_830 = arith.constant 8 : i32
        %mul3A_831 = arith.muli %select_n3A_771, %mul3A_830 : i32
        %mul3A_832 = arith.constant 2 : i32
        %mul3A_833 = arith.muli %select_n3A_827, %mul3A_832 : i32
        %add3A_834 = arith.addi %mul3A_831, %mul3A_833 : i32
        %dma_wait3A_835 = arith.constant 0 : i32
        %dma_wait3A_836 = tpu.memref_slice %arg5[%mul3A_829, %add3A_834, %dma_wait3A_835] : memref<4096x200x128xf32, #tpu.memory_space<hbm>> -> memref<128x2x64xf32, #tpu.memory_space<hbm>>
        %dma_wait3A_837 = arith.constant 0 : i32
        %dma_wait3A_838 = tpu.memref_slice %arg5[%mul3A_829, %add3A_834, %dma_wait3A_837] : memref<4096x200x128xf32, #tpu.memory_space<hbm>> -> memref<128x2x64xf32, #tpu.memory_space<hbm>>
        tpu.wait_dma2 semaphore(%arg17 : memref<!tpu.dma_semaphore, #tpu.memory_space<semaphore_mem>>) src(%arg10 : memref<128x2x64xf32, #tpu.memory_space<vmem>>) dst(%dma_wait3A_838 : memref<128x2x64xf32, #tpu.memory_space<hbm>>)
      } else {
      }
      %add3A_226 = arith.addi %mul3A_2, %add3A_203 : i32
      %jit3A_227 = arith.constant 128 : i32
      %div3A_228 = arith.divsi %add3A_226, %jit3A_227 : i32
      %sign3A_229 = arith.constant 0 : i32
      %sign3A_230 = arith.cmpi sgt, %add3A_226, %sign3A_229 : i32
      %sign3A_231 = arith.extui %sign3A_230 : i1 to i32
      %sign3A_232 = arith.constant 0 : i32
      %sign3A_233 = arith.cmpi slt, %add3A_226, %sign3A_232 : i32
      %sign3A_234 = arith.extui %sign3A_233 : i1 to i32
      %sign3A_235 = arith.subi %sign3A_231, %sign3A_234 : i32
      %sign3A_236 = arith.constant 0 : i32
      %sign3A_237 = arith.cmpi sgt, %jit3A_227, %sign3A_236 : i32
      %sign3A_238 = arith.extui %sign3A_237 : i1 to i32
      %sign3A_239 = arith.constant 0 : i32
      %sign3A_240 = arith.cmpi slt, %jit3A_227, %sign3A_239 : i32
      %sign3A_241 = arith.extui %sign3A_240 : i1 to i32
      %sign3A_242 = arith.subi %sign3A_238, %sign3A_241 : i32
      %ne3A_243 = arith.cmpi ne, %sign3A_235, %sign3A_242 : i32
      %rem3A_244 = arith.remsi %add3A_226, %jit3A_227 : i32
      %ne3A_245 = arith.constant 0 : i32
      %ne3A_246 = arith.cmpi ne, %rem3A_244, %ne3A_245 : i32
      %and3A_247 = arith.andi %ne3A_243, %ne3A_246 : i1
      %sub3A_248 = arith.constant 1 : i32
      %sub3A_249 = arith.subi %div3A_228, %sub3A_248 : i32
      %select_n3A_250 = arith.select %and3A_247, %sub3A_249, %div3A_228 : i32
      %jit3A_251 = arith.constant 4 : i32
      %eq3A_252 = arith.constant 0 : i32
      %eq3A_253 = arith.cmpi eq, %jit3A_251, %eq3A_252 : i32
      %jit3A_254 = arith.constant 1 : i32
      %select_n3A_255 = arith.select %eq3A_253, %jit3A_254, %jit3A_251 : i32
      %rem3A_256 = arith.remsi %add3A_226, %select_n3A_255 : i32
      %ne3A_257 = arith.constant 0 : i32
      %ne3A_258 = arith.cmpi ne, %rem3A_256, %ne3A_257 : i32
      %lt3A_259 = arith.constant 0 : i32
      %lt3A_260 = arith.cmpi slt, %rem3A_256, %lt3A_259 : i32
      %lt3A_261 = arith.constant 0 : i32
      %lt3A_262 = arith.cmpi slt, %select_n3A_255, %lt3A_261 : i32
      %ne3A_263 = arith.xori %lt3A_260, %lt3A_262 : i1
      %and3A_264 = arith.andi %ne3A_263, %ne3A_258 : i1
      %add3A_265 = arith.addi %rem3A_256, %select_n3A_255 : i32
      %select_n3A_266 = arith.select %and3A_264, %add3A_265, %rem3A_256 : i32
      %mul3A_267 = arith.constant 8 : i32
      %mul3A_268 = arith.muli %select_n3A_250, %mul3A_267 : i32
      %mul3A_269 = arith.constant 2 : i32
      %mul3A_270 = arith.muli %select_n3A_266, %mul3A_269 : i32
      %add3A_271 = arith.addi %mul3A_268, %mul3A_270 : i32
      %add3A_272 = arith.constant 0 : i32
      %add3A_273 = arith.addi %add3A_271, %add3A_272 : i32
      %mul3A_274 = arith.constant 64 : i32
      %mul3A_275 = arith.muli %add3A_273, %mul3A_274 : i32
      %add3A_276 = arith.constant 0 : i32
      %add3A_277 = arith.addi %mul3A_275, %add3A_276 : i32
      %get3A = arith.index_cast %add3A_277 : i32 to index
      %get3A_278 = tpu.vector_load %arg12[%get3A] {strides = array<i32>} : memref<12800xf32, #tpu.memory_space<vmem>>, vector<16xf32>,
      %get3A_279 = vector.shape_cast %get3A_278 : vector<16xf32> to vector<16xf32>
      %mul3A_280 = arith.constant 8 : i32
      %mul3A_281 = arith.muli %select_n3A_250, %mul3A_280 : i32
      %mul3A_282 = arith.constant 2 : i32
      %mul3A_283 = arith.muli %select_n3A_266, %mul3A_282 : i32
      %add3A_284 = arith.addi %mul3A_281, %mul3A_283 : i32
      %add3A_285 = arith.constant 0 : i32
      %add3A_286 = arith.addi %add3A_284, %add3A_285 : i32
      %mul3A_287 = arith.constant 64 : i32
      %mul3A_288 = arith.muli %add3A_286, %mul3A_287 : i32
      %add3A_289 = arith.constant 16 : i32
      %add3A_290 = arith.addi %mul3A_288, %add3A_289 : i32
      %get3A_291 = arith.index_cast %add3A_290 : i32 to index
      %get3A_292 = tpu.vector_load %arg12[%get3A_291] {strides = array<i32>} : memref<12800xf32, #tpu.memory_space<vmem>>, vector<16xf32>,
      %get3A_293 = vector.shape_cast %get3A_292 : vector<16xf32> to vector<16xf32>
      %mul3A_294 = arith.constant 8 : i32
      %mul3A_295 = arith.muli %select_n3A_250, %mul3A_294 : i32
      %mul3A_296 = arith.constant 2 : i32
      %mul3A_297 = arith.muli %select_n3A_266, %mul3A_296 : i32
      %add3A_298 = arith.addi %mul3A_295, %mul3A_297 : i32
      %add3A_299 = arith.constant 0 : i32
      %add3A_300 = arith.addi %add3A_298, %add3A_299 : i32
      %mul3A_301 = arith.constant 64 : i32
      %mul3A_302 = arith.muli %add3A_300, %mul3A_301 : i32
      %add3A_303 = arith.constant 32 : i32
      %add3A_304 = arith.addi %mul3A_302, %add3A_303 : i32
      %get3A_305 = arith.index_cast %add3A_304 : i32 to index
      %get3A_306 = tpu.vector_load %arg12[%get3A_305] {strides = array<i32>} : memref<12800xf32, #tpu.memory_space<vmem>>, vector<16xf32>,
      %get3A_307 = vector.shape_cast %get3A_306 : vector<16xf32> to vector<16xf32>
      %mul3A_308 = arith.constant 8 : i32
      %mul3A_309 = arith.muli %select_n3A_250, %mul3A_308 : i32
      %mul3A_310 = arith.constant 2 : i32
      %mul3A_311 = arith.muli %select_n3A_266, %mul3A_310 : i32
      %add3A_312 = arith.addi %mul3A_309, %mul3A_311 : i32
      %add3A_313 = arith.constant 0 : i32
      %add3A_314 = arith.addi %add3A_312, %add3A_313 : i32
      %mul3A_315 = arith.constant 64 : i32
      %mul3A_316 = arith.muli %add3A_314, %mul3A_315 : i32
      %add3A_317 = arith.constant 48 : i32
      %add3A_318 = arith.addi %mul3A_316, %add3A_317 : i32
      %get3A_319 = arith.index_cast %add3A_318 : i32 to index
      %get3A_320 = tpu.vector_load %arg12[%get3A_319] {strides = array<i32>} : memref<12800xf32, #tpu.memory_space<vmem>>, vector<16xf32>,
      %get3A_321 = vector.shape_cast %get3A_320 : vector<16xf32> to vector<16xf32>
      %mul3A_322 = arith.constant 8 : i32
      %mul3A_323 = arith.muli %select_n3A_250, %mul3A_322 : i32
      %mul3A_324 = arith.constant 2 : i32
      %mul3A_325 = arith.muli %select_n3A_266, %mul3A_324 : i32
      %add3A_326 = arith.addi %mul3A_323, %mul3A_325 : i32
      %add3A_327 = arith.constant 1 : i32
      %add3A_328 = arith.addi %add3A_326, %add3A_327 : i32
      %mul3A_329 = arith.constant 64 : i32
      %mul3A_330 = arith.muli %add3A_328, %mul3A_329 : i32
      %add3A_331 = arith.constant 0 : i32
      %add3A_332 = arith.addi %mul3A_330, %add3A_331 : i32
      %get3A_333 = arith.index_cast %add3A_332 : i32 to index
      %get3A_334 = tpu.vector_load %arg12[%get3A_333] {strides = array<i32>} : memref<12800xf32, #tpu.memory_space<vmem>>, vector<16xf32>,
      %get3A_335 = vector.shape_cast %get3A_334 : vector<16xf32> to vector<16xf32>
      %mul3A_336 = arith.constant 8 : i32
      %mul3A_337 = arith.muli %select_n3A_250, %mul3A_336 : i32
      %mul3A_338 = arith.constant 2 : i32
      %mul3A_339 = arith.muli %select_n3A_266, %mul3A_338 : i32
      %add3A_340 = arith.addi %mul3A_337, %mul3A_339 : i32
      %add3A_341 = arith.constant 1 : i32
      %add3A_342 = arith.addi %add3A_340, %add3A_341 : i32
      %mul3A_343 = arith.constant 64 : i32
      %mul3A_344 = arith.muli %add3A_342, %mul3A_343 : i32
      %add3A_345 = arith.constant 16 : i32
      %add3A_346 = arith.addi %mul3A_344, %add3A_345 : i32
      %get3A_347 = arith.index_cast %add3A_346 : i32 to index
      %get3A_348 = tpu.vector_load %arg12[%get3A_347] {strides = array<i32>} : memref<12800xf32, #tpu.memory_space<vmem>>, vector<16xf32>,
      %get3A_349 = vector.shape_cast %get3A_348 : vector<16xf32> to vector<16xf32>
      %mul3A_350 = arith.constant 8 : i32
      %mul3A_351 = arith.muli %select_n3A_250, %mul3A_350 : i32
      %mul3A_352 = arith.constant 2 : i32
      %mul3A_353 = arith.muli %select_n3A_266, %mul3A_352 : i32
      %add3A_354 = arith.addi %mul3A_351, %mul3A_353 : i32
      %add3A_355 = arith.constant 1 : i32
      %add3A_356 = arith.addi %add3A_354, %add3A_355 : i32
      %mul3A_357 = arith.constant 64 : i32
      %mul3A_358 = arith.muli %add3A_356, %mul3A_357 : i32
      %add3A_359 = arith.constant 32 : i32
      %add3A_360 = arith.addi %mul3A_358, %add3A_359 : i32
      %get3A_361 = arith.index_cast %add3A_360 : i32 to index
      %get3A_362 = tpu.vector_load %arg12[%get3A_361] {strides = array<i32>} : memref<12800xf32, #tpu.memory_space<vmem>>, vector<16xf32>,
      %get3A_363 = vector.shape_cast %get3A_362 : vector<16xf32> to vector<16xf32>
      %mul3A_364 = arith.constant 8 : i32
      %mul3A_365 = arith.muli %select_n3A_250, %mul3A_364 : i32
      %mul3A_366 = arith.constant 2 : i32
      %mul3A_367 = arith.muli %select_n3A_266, %mul3A_366 : i32
      %add3A_368 = arith.addi %mul3A_365, %mul3A_367 : i32
      %add3A_369 = arith.constant 1 : i32
      %add3A_370 = arith.addi %add3A_368, %add3A_369 : i32
      %mul3A_371 = arith.constant 64 : i32
      %mul3A_372 = arith.muli %add3A_370, %mul3A_371 : i32
      %add3A_373 = arith.constant 48 : i32
      %add3A_374 = arith.addi %mul3A_372, %add3A_373 : i32
      %get3A_375 = arith.index_cast %add3A_374 : i32 to index
      %get3A_376 = tpu.vector_load %arg12[%get3A_375] {strides = array<i32>} : memref<12800xf32, #tpu.memory_space<vmem>>, vector<16xf32>,
      %get3A_377 = vector.shape_cast %get3A_376 : vector<16xf32> to vector<16xf32>
      %parallel_loop3A = arith.constant 0 : i32
      %parallel_loop3A_378 = arith.constant 128 : i32
      %parallel_loop3A_379 = arith.constant 1 : i32
      scf.for %parallel_loop3A_748 = %parallel_loop3A to %parallel_loop3A_378 step %parallel_loop3A_379  : i32 {
        %parallel_loop3A_749 = arith.constant 0 : i32
        %parallel_loop3A_750 = arith.addi %parallel_loop3A_749, %parallel_loop3A_748 : i32
        %parallel_loop3A_751 = arith.index_cast %parallel_loop3A_750 : i32 to index
        %parallel_loop3A_752 = arith.constant 0 : index
        %parallel_loop3A_753 = tpu.vector_load %arg8[%parallel_loop3A_751, %parallel_loop3A_752] {strides = array<i32>} : memref<256x64xf32, #tpu.memory_space<vmem>>, vector<1x16xf32>,
        %parallel_loop3A_754 = vector.shape_cast %parallel_loop3A_753 : vector<1x16xf32> to vector<16xf32>
        %parallel_loop3A_755 = arith.constant 8.000000e+00 : f32
        %parallel_loop3A_756 = vector.broadcast %parallel_loop3A_755 : f32 to vector<16xf32>
        %parallel_loop3A_757 = arith.mulf %parallel_loop3A_754, %parallel_loop3A_756 : vector<16xf32>
        %parallel_loop3A_758 = arith.addf %parallel_loop3A_757, %get3A_279 : vector<16xf32>
        %parallel_loop3A_759 = arith.constant 0 : i32
        %parallel_loop3A_760 = arith.index_cast %parallel_loop3A_748 : i32 to index
        %parallel_loop3A_761 = arith.index_cast %parallel_loop3A_759 : i32 to index
        %parallel_loop3A_762 = arith.constant 0 : index
        %parallel_loop3A_763 = tpu.vector_load %arg10[%parallel_loop3A_760, %parallel_loop3A_761, %parallel_loop3A_762] {strides = array<i32>} : memref<128x2x64xf32, #tpu.memory_space<vmem>>, vector<1x1x16xf32>,
        %parallel_loop3A_764 = vector.shape_cast %parallel_loop3A_763 : vector<1x1x16xf32> to vector<16xf32>
        %parallel_loop3A_765 = vector.shape_cast %parallel_loop3A_758 : vector<16xf32> to vector<1x1x16xf32>
        tpu.vector_store %arg10[%parallel_loop3A_760, %parallel_loop3A_761, %parallel_loop3A_762], %parallel_loop3A_765 {strides = array<i32>} : memref<128x2x64xf32, #tpu.memory_space<vmem>>, vector<1x1x16xf32>,
        %parallel_loop3A_766 = arith.constant 0 : i32
        %parallel_loop3A_767 = arith.addi %parallel_loop3A_766, %parallel_loop3A_748 : i32
        %parallel_loop3A_768 = arith.index_cast %parallel_loop3A_767 : i32 to index
        %parallel_loop3A_769 = arith.constant 16 : index
        %parallel_loop3A_770 = tpu.vector_load %arg8[%parallel_loop3A_768, %parallel_loop3A_769] {strides = array<i32>} : memref<256x64xf32, #tpu.memory_space<vmem>>, vector<1x16xf32>,
        %parallel_loop3A_771 = vector.shape_cast %parallel_loop3A_770 : vector<1x16xf32> to vector<16xf32>
        %parallel_loop3A_772 = arith.constant 8.000000e+00 : f32
        %parallel_loop3A_773 = vector.broadcast %parallel_loop3A_772 : f32 to vector<16xf32>
        %parallel_loop3A_774 = arith.mulf %parallel_loop3A_771, %parallel_loop3A_773 : vector<16xf32>
        %parallel_loop3A_775 = arith.addf %parallel_loop3A_774, %get3A_293 : vector<16xf32>
        %parallel_loop3A_776 = arith.constant 0 : i32
        %parallel_loop3A_777 = arith.index_cast %parallel_loop3A_748 : i32 to index
        %parallel_loop3A_778 = arith.index_cast %parallel_loop3A_776 : i32 to index
        %parallel_loop3A_779 = arith.constant 16 : index
        %parallel_loop3A_780 = tpu.vector_load %arg10[%parallel_loop3A_777, %parallel_loop3A_778, %parallel_loop3A_779] {strides = array<i32>} : memref<128x2x64xf32, #tpu.memory_space<vmem>>, vector<1x1x16xf32>,
        %parallel_loop3A_781 = vector.shape_cast %parallel_loop3A_780 : vector<1x1x16xf32> to vector<16xf32>
        %parallel_loop3A_782 = vector.shape_cast %parallel_loop3A_775 : vector<16xf32> to vector<1x1x16xf32>
        tpu.vector_store %arg10[%parallel_loop3A_777, %parallel_loop3A_778, %parallel_loop3A_779], %parallel_loop3A_782 {strides = array<i32>} : memref<128x2x64xf32, #tpu.memory_space<vmem>>, vector<1x1x16xf32>,
        %parallel_loop3A_783 = arith.constant 0 : i32
        %parallel_loop3A_784 = arith.addi %parallel_loop3A_783, %parallel_loop3A_748 : i32
        %parallel_loop3A_785 = arith.index_cast %parallel_loop3A_784 : i32 to index
        %parallel_loop3A_786 = arith.constant 32 : index
        %parallel_loop3A_787 = tpu.vector_load %arg8[%parallel_loop3A_785, %parallel_loop3A_786] {strides = array<i32>} : memref<256x64xf32, #tpu.memory_space<vmem>>, vector<1x16xf32>,
        %parallel_loop3A_788 = vector.shape_cast %parallel_loop3A_787 : vector<1x16xf32> to vector<16xf32>
        %parallel_loop3A_789 = arith.constant 8.000000e+00 : f32
        %parallel_loop3A_790 = vector.broadcast %parallel_loop3A_789 : f32 to vector<16xf32>
        %parallel_loop3A_791 = arith.mulf %parallel_loop3A_788, %parallel_loop3A_790 : vector<16xf32>
        %parallel_loop3A_792 = arith.addf %parallel_loop3A_791, %get3A_307 : vector<16xf32>
        %parallel_loop3A_793 = arith.constant 0 : i32
        %parallel_loop3A_794 = arith.index_cast %parallel_loop3A_748 : i32 to index
        %parallel_loop3A_795 = arith.index_cast %parallel_loop3A_793 : i32 to index
        %parallel_loop3A_796 = arith.constant 32 : index
        %parallel_loop3A_797 = tpu.vector_load %arg10[%parallel_loop3A_794, %parallel_loop3A_795, %parallel_loop3A_796] {strides = array<i32>} : memref<128x2x64xf32, #tpu.memory_space<vmem>>, vector<1x1x16xf32>,
        %parallel_loop3A_798 = vector.shape_cast %parallel_loop3A_797 : vector<1x1x16xf32> to vector<16xf32>
        %parallel_loop3A_799 = vector.shape_cast %parallel_loop3A_792 : vector<16xf32> to vector<1x1x16xf32>
        tpu.vector_store %arg10[%parallel_loop3A_794, %parallel_loop3A_795, %parallel_loop3A_796], %parallel_loop3A_799 {strides = array<i32>} : memref<128x2x64xf32, #tpu.memory_space<vmem>>, vector<1x1x16xf32>,
        %parallel_loop3A_800 = arith.constant 0 : i32
        %parallel_loop3A_801 = arith.addi %parallel_loop3A_800, %parallel_loop3A_748 : i32
        %parallel_loop3A_802 = arith.index_cast %parallel_loop3A_801 : i32 to index
        %parallel_loop3A_803 = arith.constant 48 : index
        %parallel_loop3A_804 = tpu.vector_load %arg8[%parallel_loop3A_802, %parallel_loop3A_803] {strides = array<i32>} : memref<256x64xf32, #tpu.memory_space<vmem>>, vector<1x16xf32>,
        %parallel_loop3A_805 = vector.shape_cast %parallel_loop3A_804 : vector<1x16xf32> to vector<16xf32>
        %parallel_loop3A_806 = arith.constant 8.000000e+00 : f32
        %parallel_loop3A_807 = vector.broadcast %parallel_loop3A_806 : f32 to vector<16xf32>
        %parallel_loop3A_808 = arith.mulf %parallel_loop3A_805, %parallel_loop3A_807 : vector<16xf32>
        %parallel_loop3A_809 = arith.addf %parallel_loop3A_808, %get3A_321 : vector<16xf32>
        %parallel_loop3A_810 = arith.constant 0 : i32
        %parallel_loop3A_811 = arith.index_cast %parallel_loop3A_748 : i32 to index
        %parallel_loop3A_812 = arith.index_cast %parallel_loop3A_810 : i32 to index
        %parallel_loop3A_813 = arith.constant 48 : index
        %parallel_loop3A_814 = tpu.vector_load %arg10[%parallel_loop3A_811, %parallel_loop3A_812, %parallel_loop3A_813] {strides = array<i32>} : memref<128x2x64xf32, #tpu.memory_space<vmem>>, vector<1x1x16xf32>,
        %parallel_loop3A_815 = vector.shape_cast %parallel_loop3A_814 : vector<1x1x16xf32> to vector<16xf32>
        %parallel_loop3A_816 = vector.shape_cast %parallel_loop3A_809 : vector<16xf32> to vector<1x1x16xf32>
        tpu.vector_store %arg10[%parallel_loop3A_811, %parallel_loop3A_812, %parallel_loop3A_813], %parallel_loop3A_816 {strides = array<i32>} : memref<128x2x64xf32, #tpu.memory_space<vmem>>, vector<1x1x16xf32>,
        %parallel_loop3A_817 = arith.constant 128 : i32
        %parallel_loop3A_818 = arith.addi %parallel_loop3A_817, %parallel_loop3A_748 : i32
        %parallel_loop3A_819 = arith.index_cast %parallel_loop3A_818 : i32 to index
        %parallel_loop3A_820 = arith.constant 0 : index
        %parallel_loop3A_821 = tpu.vector_load %arg8[%parallel_loop3A_819, %parallel_loop3A_820] {strides = array<i32>} : memref<256x64xf32, #tpu.memory_space<vmem>>, vector<1x16xf32>,
        %parallel_loop3A_822 = vector.shape_cast %parallel_loop3A_821 : vector<1x16xf32> to vector<16xf32>
        %parallel_loop3A_823 = arith.constant 8.000000e+00 : f32
        %parallel_loop3A_824 = vector.broadcast %parallel_loop3A_823 : f32 to vector<16xf32>
        %parallel_loop3A_825 = arith.mulf %parallel_loop3A_822, %parallel_loop3A_824 : vector<16xf32>
        %parallel_loop3A_826 = arith.addf %parallel_loop3A_825, %get3A_335 : vector<16xf32>
        %parallel_loop3A_827 = arith.constant 1 : i32
        %parallel_loop3A_828 = arith.index_cast %parallel_loop3A_748 : i32 to index
        %parallel_loop3A_829 = arith.index_cast %parallel_loop3A_827 : i32 to index
        %parallel_loop3A_830 = arith.constant 0 : index
        %parallel_loop3A_831 = tpu.vector_load %arg10[%parallel_loop3A_828, %parallel_loop3A_829, %parallel_loop3A_830] {strides = array<i32>} : memref<128x2x64xf32, #tpu.memory_space<vmem>>, vector<1x1x16xf32>,
        %parallel_loop3A_832 = vector.shape_cast %parallel_loop3A_831 : vector<1x1x16xf32> to vector<16xf32>
        %parallel_loop3A_833 = vector.shape_cast %parallel_loop3A_826 : vector<16xf32> to vector<1x1x16xf32>
        tpu.vector_store %arg10[%parallel_loop3A_828, %parallel_loop3A_829, %parallel_loop3A_830], %parallel_loop3A_833 {strides = array<i32>} : memref<128x2x64xf32, #tpu.memory_space<vmem>>, vector<1x1x16xf32>,
        %parallel_loop3A_834 = arith.constant 128 : i32
        %parallel_loop3A_835 = arith.addi %parallel_loop3A_834, %parallel_loop3A_748 : i32
        %parallel_loop3A_836 = arith.index_cast %parallel_loop3A_835 : i32 to index
        %parallel_loop3A_837 = arith.constant 16 : index
        %parallel_loop3A_838 = tpu.vector_load %arg8[%parallel_loop3A_836, %parallel_loop3A_837] {strides = array<i32>} : memref<256x64xf32, #tpu.memory_space<vmem>>, vector<1x16xf32>,
        %parallel_loop3A_839 = vector.shape_cast %parallel_loop3A_838 : vector<1x16xf32> to vector<16xf32>
        %parallel_loop3A_840 = arith.constant 8.000000e+00 : f32
        %parallel_loop3A_841 = vector.broadcast %parallel_loop3A_840 : f32 to vector<16xf32>
        %parallel_loop3A_842 = arith.mulf %parallel_loop3A_839, %parallel_loop3A_841 : vector<16xf32>
        %parallel_loop3A_843 = arith.addf %parallel_loop3A_842, %get3A_349 : vector<16xf32>
        %parallel_loop3A_844 = arith.constant 1 : i32
        %parallel_loop3A_845 = arith.index_cast %parallel_loop3A_748 : i32 to index
        %parallel_loop3A_846 = arith.index_cast %parallel_loop3A_844 : i32 to index
        %parallel_loop3A_847 = arith.constant 16 : index
        %parallel_loop3A_848 = tpu.vector_load %arg10[%parallel_loop3A_845, %parallel_loop3A_846, %parallel_loop3A_847] {strides = array<i32>} : memref<128x2x64xf32, #tpu.memory_space<vmem>>, vector<1x1x16xf32>,
        %parallel_loop3A_849 = vector.shape_cast %parallel_loop3A_848 : vector<1x1x16xf32> to vector<16xf32>
        %parallel_loop3A_850 = vector.shape_cast %parallel_loop3A_843 : vector<16xf32> to vector<1x1x16xf32>
        tpu.vector_store %arg10[%parallel_loop3A_845, %parallel_loop3A_846, %parallel_loop3A_847], %parallel_loop3A_850 {strides = array<i32>} : memref<128x2x64xf32, #tpu.memory_space<vmem>>, vector<1x1x16xf32>,
        %parallel_loop3A_851 = arith.constant 128 : i32
        %parallel_loop3A_852 = arith.addi %parallel_loop3A_851, %parallel_loop3A_748 : i32
        %parallel_loop3A_853 = arith.index_cast %parallel_loop3A_852 : i32 to index
        %parallel_loop3A_854 = arith.constant 32 : index
        %parallel_loop3A_855 = tpu.vector_load %arg8[%parallel_loop3A_853, %parallel_loop3A_854] {strides = array<i32>} : memref<256x64xf32, #tpu.memory_space<vmem>>, vector<1x16xf32>,
        %parallel_loop3A_856 = vector.shape_cast %parallel_loop3A_855 : vector<1x16xf32> to vector<16xf32>
        %parallel_loop3A_857 = arith.constant 8.000000e+00 : f32
        %parallel_loop3A_858 = vector.broadcast %parallel_loop3A_857 : f32 to vector<16xf32>
        %parallel_loop3A_859 = arith.mulf %parallel_loop3A_856, %parallel_loop3A_858 : vector<16xf32>
        %parallel_loop3A_860 = arith.addf %parallel_loop3A_859, %get3A_363 : vector<16xf32>
        %parallel_loop3A_861 = arith.constant 1 : i32
        %parallel_loop3A_862 = arith.index_cast %parallel_loop3A_748 : i32 to index
        %parallel_loop3A_863 = arith.index_cast %parallel_loop3A_861 : i32 to index
        %parallel_loop3A_864 = arith.constant 32 : index
        %parallel_loop3A_865 = tpu.vector_load %arg10[%parallel_loop3A_862, %parallel_loop3A_863, %parallel_loop3A_864] {strides = array<i32>} : memref<128x2x64xf32, #tpu.memory_space<vmem>>, vector<1x1x16xf32>,
        %parallel_loop3A_866 = vector.shape_cast %parallel_loop3A_865 : vector<1x1x16xf32> to vector<16xf32>
        %parallel_loop3A_867 = vector.shape_cast %parallel_loop3A_860 : vector<16xf32> to vector<1x1x16xf32>
        tpu.vector_store %arg10[%parallel_loop3A_862, %parallel_loop3A_863, %parallel_loop3A_864], %parallel_loop3A_867 {strides = array<i32>} : memref<128x2x64xf32, #tpu.memory_space<vmem>>, vector<1x1x16xf32>,
        %parallel_loop3A_868 = arith.constant 128 : i32
        %parallel_loop3A_869 = arith.addi %parallel_loop3A_868, %parallel_loop3A_748 : i32
        %parallel_loop3A_870 = arith.index_cast %parallel_loop3A_869 : i32 to index
        %parallel_loop3A_871 = arith.constant 48 : index
        %parallel_loop3A_872 = tpu.vector_load %arg8[%parallel_loop3A_870, %parallel_loop3A_871] {strides = array<i32>} : memref<256x64xf32, #tpu.memory_space<vmem>>, vector<1x16xf32>,
        %parallel_loop3A_873 = vector.shape_cast %parallel_loop3A_872 : vector<1x16xf32> to vector<16xf32>
        %parallel_loop3A_874 = arith.constant 8.000000e+00 : f32
        %parallel_loop3A_875 = vector.broadcast %parallel_loop3A_874 : f32 to vector<16xf32>
        %parallel_loop3A_876 = arith.mulf %parallel_loop3A_873, %parallel_loop3A_875 : vector<16xf32>
        %parallel_loop3A_877 = arith.addf %parallel_loop3A_876, %get3A_377 : vector<16xf32>
        %parallel_loop3A_878 = arith.constant 1 : i32
        %parallel_loop3A_879 = arith.index_cast %parallel_loop3A_748 : i32 to index
        %parallel_loop3A_880 = arith.index_cast %parallel_loop3A_878 : i32 to index
        %parallel_loop3A_881 = arith.constant 48 : index
        %parallel_loop3A_882 = tpu.vector_load %arg10[%parallel_loop3A_879, %parallel_loop3A_880, %parallel_loop3A_881] {strides = array<i32>} : memref<128x2x64xf32, #tpu.memory_space<vmem>>, vector<1x1x16xf32>,
        %parallel_loop3A_883 = vector.shape_cast %parallel_loop3A_882 : vector<1x1x16xf32> to vector<16xf32>
        %parallel_loop3A_884 = vector.shape_cast %parallel_loop3A_877 : vector<16xf32> to vector<1x1x16xf32>
        tpu.vector_store %arg10[%parallel_loop3A_879, %parallel_loop3A_880, %parallel_loop3A_881], %parallel_loop3A_884 {strides = array<i32>} : memref<128x2x64xf32, #tpu.memory_space<vmem>>, vector<1x1x16xf32>,
      } {sc.loop_unroll_factor = 4 : i64, sc.parallel_access}
      %add3A_380 = arith.addi %mul3A_2, %add3A_203 : i32
      %jit3A_381 = arith.constant 128 : i32
      %div3A_382 = arith.divsi %add3A_380, %jit3A_381 : i32
      %sign3A_383 = arith.constant 0 : i32
      %sign3A_384 = arith.cmpi sgt, %add3A_380, %sign3A_383 : i32
      %sign3A_385 = arith.extui %sign3A_384 : i1 to i32
      %sign3A_386 = arith.constant 0 : i32
      %sign3A_387 = arith.cmpi slt, %add3A_380, %sign3A_386 : i32
      %sign3A_388 = arith.extui %sign3A_387 : i1 to i32
      %sign3A_389 = arith.subi %sign3A_385, %sign3A_388 : i32
      %sign3A_390 = arith.constant 0 : i32
      %sign3A_391 = arith.cmpi sgt, %jit3A_381, %sign3A_390 : i32
      %sign3A_392 = arith.extui %sign3A_391 : i1 to i32
      %sign3A_393 = arith.constant 0 : i32
      %sign3A_394 = arith.cmpi slt, %jit3A_381, %sign3A_393 : i32
      %sign3A_395 = arith.extui %sign3A_394 : i1 to i32
      %sign3A_396 = arith.subi %sign3A_392, %sign3A_395 : i32
      %ne3A_397 = arith.cmpi ne, %sign3A_389, %sign3A_396 : i32
      %rem3A_398 = arith.remsi %add3A_380, %jit3A_381 : i32
      %ne3A_399 = arith.constant 0 : i32
      %ne3A_400 = arith.cmpi ne, %rem3A_398, %ne3A_399 : i32
      %and3A_401 = arith.andi %ne3A_397, %ne3A_400 : i1
      %sub3A_402 = arith.constant 1 : i32
      %sub3A_403 = arith.subi %div3A_382, %sub3A_402 : i32
      %select_n3A_404 = arith.select %and3A_401, %sub3A_403, %div3A_382 : i32
      %jit3A_405 = arith.constant 128 : i32
      %eq3A_406 = arith.constant 0 : i32
      %eq3A_407 = arith.cmpi eq, %jit3A_405, %eq3A_406 : i32
      %jit3A_408 = arith.constant 1 : i32
      %select_n3A_409 = arith.select %eq3A_407, %jit3A_408, %jit3A_405 : i32
      %rem3A_410 = arith.remsi %add3A_380, %select_n3A_409 : i32
      %ne3A_411 = arith.constant 0 : i32
      %ne3A_412 = arith.cmpi ne, %rem3A_410, %ne3A_411 : i32
      %lt3A_413 = arith.constant 0 : i32
      %lt3A_414 = arith.cmpi slt, %rem3A_410, %lt3A_413 : i32
      %lt3A_415 = arith.constant 0 : i32
      %lt3A_416 = arith.cmpi slt, %select_n3A_409, %lt3A_415 : i32
      %ne3A_417 = arith.xori %lt3A_414, %lt3A_416 : i1
      %and3A_418 = arith.andi %ne3A_417, %ne3A_412 : i1
      %add3A_419 = arith.addi %rem3A_410, %select_n3A_409 : i32
      %select_n3A_420 = arith.select %and3A_418, %add3A_419, %rem3A_410 : i32
      %jit3A_421 = arith.constant 4 : i32
      %div3A_422 = arith.divsi %select_n3A_420, %jit3A_421 : i32
      %sign3A_423 = arith.constant 0 : i32
      %sign3A_424 = arith.cmpi sgt, %select_n3A_420, %sign3A_423 : i32
      %sign3A_425 = arith.extui %sign3A_424 : i1 to i32
      %sign3A_426 = arith.constant 0 : i32
      %sign3A_427 = arith.cmpi slt, %select_n3A_420, %sign3A_426 : i32
      %sign3A_428 = arith.extui %sign3A_427 : i1 to i32
      %sign3A_429 = arith.subi %sign3A_425, %sign3A_428 : i32
      %sign3A_430 = arith.constant 0 : i32
      %sign3A_431 = arith.cmpi sgt, %jit3A_421, %sign3A_430 : i32
      %sign3A_432 = arith.extui %sign3A_431 : i1 to i32
      %sign3A_433 = arith.constant 0 : i32
      %sign3A_434 = arith.cmpi slt, %jit3A_421, %sign3A_433 : i32
      %sign3A_435 = arith.extui %sign3A_434 : i1 to i32
      %sign3A_436 = arith.subi %sign3A_432, %sign3A_435 : i32
      %ne3A_437 = arith.cmpi ne, %sign3A_429, %sign3A_436 : i32
      %rem3A_438 = arith.remsi %select_n3A_420, %jit3A_421 : i32
      %ne3A_439 = arith.constant 0 : i32
      %ne3A_440 = arith.cmpi ne, %rem3A_438, %ne3A_439 : i32
      %and3A_441 = arith.andi %ne3A_437, %ne3A_440 : i1
      %sub3A_442 = arith.constant 1 : i32
      %sub3A_443 = arith.subi %div3A_422, %sub3A_442 : i32
      %select_n3A_444 = arith.select %and3A_441, %sub3A_443, %div3A_422 : i32
      %jit3A_445 = arith.constant 4 : i32
      %eq3A_446 = arith.constant 0 : i32
      %eq3A_447 = arith.cmpi eq, %jit3A_445, %eq3A_446 : i32
      %jit3A_448 = arith.constant 1 : i32
      %select_n3A_449 = arith.select %eq3A_447, %jit3A_448, %jit3A_445 : i32
      %rem3A_450 = arith.remsi %select_n3A_420, %select_n3A_449 : i32
      %ne3A_451 = arith.constant 0 : i32
      %ne3A_452 = arith.cmpi ne, %rem3A_450, %ne3A_451 : i32
      %lt3A_453 = arith.constant 0 : i32
      %lt3A_454 = arith.cmpi slt, %rem3A_450, %lt3A_453 : i32
      %lt3A_455 = arith.constant 0 : i32
      %lt3A_456 = arith.cmpi slt, %select_n3A_449, %lt3A_455 : i32
      %ne3A_457 = arith.xori %lt3A_454, %lt3A_456 : i1
      %and3A_458 = arith.andi %ne3A_457, %ne3A_452 : i1
      %add3A_459 = arith.addi %rem3A_450, %select_n3A_449 : i32
      %select_n3A_460 = arith.select %and3A_458, %add3A_459, %rem3A_450 : i32
      %mul3A_461 = arith.constant 128 : i32
      %mul3A_462 = arith.muli %select_n3A_444, %mul3A_461 : i32
      %mul3A_463 = arith.constant 8 : i32
      %mul3A_464 = arith.muli %select_n3A_404, %mul3A_463 : i32
      %mul3A_465 = arith.constant 2 : i32
      %mul3A_466 = arith.muli %select_n3A_460, %mul3A_465 : i32
      %add3A_467 = arith.addi %mul3A_464, %mul3A_466 : i32
      %dma_start3A_468 = arith.constant 0 : i32
      %dma_start3A_469 = tpu.memref_slice %arg5[%mul3A_462, %add3A_467, %dma_start3A_468] : memref<4096x200x128xf32, #tpu.memory_space<hbm>> -> memref<128x2x64xf32, #tpu.memory_space<hbm>>
      %dma_start3A_470 = arith.constant 0 : i32
      %dma_start3A_471 = tpu.memref_slice %arg5[%mul3A_462, %add3A_467, %dma_start3A_470] : memref<4096x200x128xf32, #tpu.memory_space<hbm>> -> memref<128x2x64xf32, #tpu.memory_space<hbm>>
      tpu.enqueue_dma source(%arg10 : memref<128x2x64xf32, #tpu.memory_space<vmem>>) target(%dma_start3A_471 : memref<128x2x64xf32, #tpu.memory_space<hbm>>) target_semaphore(%arg17 : memref<!tpu.dma_semaphore, #tpu.memory_space<semaphore_mem>>)
      %add3A_472 = arith.constant 1 : i32
      %add3A_473 = arith.addi %mul3A_201, %add3A_472 : i32
      %add3A_474 = arith.constant 1 : i32
      %add3A_475 = arith.addi %add3A_473, %add3A_474 : i32
      %lt3A_476 = arith.constant 100 : i32
      %lt3A_477 = arith.cmpi slt, %add3A_475, %lt3A_476 : i32
      %convert_element_type3A_478 = arith.extui %lt3A_477 : i1 to i32
      %cond3A_479 = arith.constant 0 : i32
      %cond3A_480 = arith.cmpi ne, %convert_element_type3A_478, %cond3A_479 : i32
      scf.if %cond3A_480 {
        %dma_wait3A_748 = arith.constant 0 : i32
        %dma_wait3A_749 = tpu.memref_slice %arg2[%dma_wait3A_748] : memref<819200xi32, #tpu.memory_space<hbm>> -> memref<256xi32, #tpu.memory_space<hbm>>
        %dma_wait3A_750 = arith.constant 0 : i32
        %dma_wait3A_751 = tpu.memref_slice %arg2[%dma_wait3A_750] : memref<819200xi32, #tpu.memory_space<hbm>> -> memref<256xi32, #tpu.memory_space<hbm>>
        tpu.wait_dma2 semaphore(%arg13 : memref<!tpu.dma_semaphore, #tpu.memory_space<semaphore_mem>>) src(%dma_wait3A_751 : memref<256xi32, #tpu.memory_space<hbm>>) dst(%arg6 : memref<256xi32, #tpu.memory_space<vmem>>)
        %dma_start3A_752 = arith.constant 0 : i32
        %dma_start3A_753 = arith.constant 0 : i32
        %dma_start3A_754 = tpu.memref_slice %arg4[%dma_start3A_752, %dma_start3A_753] : memref<1003520x64xf32, #tpu.memory_space<hbm>> -> memref<1003520x64xf32, #tpu.memory_space<hbm>>
        tpu.enqueue_indirect_dma source(%dma_start3A_754 : memref<1003520x64xf32, #tpu.memory_space<hbm>>) target(%arg8 : memref<256x64xf32, #tpu.memory_space<vmem>>) offsets(%arg6 : memref<256xi32, #tpu.memory_space<vmem>>) semaphore(%arg15 : memref<!tpu.dma_semaphore, #tpu.memory_space<semaphore_mem>>)
      } else {
      }
      %dma_wait3A_481 = arith.constant 0 : i32
      %dma_wait3A_482 = arith.constant 0 : i32
      %dma_wait3A_483 = tpu.memref_slice %arg4[%dma_wait3A_481, %dma_wait3A_482] : memref<1003520x64xf32, #tpu.memory_space<hbm>> -> memref<256x64xf32, #tpu.memory_space<hbm>>
      %dma_wait3A_484 = arith.constant 0 : i32
      %dma_wait3A_485 = arith.constant 0 : i32
      %dma_wait3A_486 = tpu.memref_slice %arg4[%dma_wait3A_484, %dma_wait3A_485] : memref<1003520x64xf32, #tpu.memory_space<hbm>> -> memref<256x64xf32, #tpu.memory_space<hbm>>
      tpu.wait_dma2 semaphore(%arg16 : memref<!tpu.dma_semaphore, #tpu.memory_space<semaphore_mem>>) src(%dma_wait3A_486 : memref<256x64xf32, #tpu.memory_space<hbm>>) dst(%arg9 : memref<256x64xf32, #tpu.memory_space<vmem>>)
      %add3A_487 = arith.constant 2 : i32
      %add3A_488 = arith.addi %add3A_473, %add3A_487 : i32
      %lt3A_489 = arith.constant 100 : i32
      %lt3A_490 = arith.cmpi slt, %add3A_488, %lt3A_489 : i32
      %convert_element_type3A_491 = arith.extui %lt3A_490 : i1 to i32
      %cond3A_492 = arith.constant 0 : i32
      %cond3A_493 = arith.cmpi ne, %convert_element_type3A_491, %cond3A_492 : i32
      scf.if %cond3A_493 {
        %add3A_748 = arith.constant 2 : i32
        %add3A_749 = arith.addi %add3A_473, %add3A_748 : i32
        %add3A_750 = arith.addi %mul3A_2, %add3A_749 : i32
        %mul3A_751 = arith.constant 256 : i32
        %mul3A_752 = arith.muli %add3A_750, %mul3A_751 : i32
        %dma_start3A_753 = tpu.memref_slice %arg2[%mul3A_752] : memref<819200xi32, #tpu.memory_space<hbm>> -> memref<256xi32, #tpu.memory_space<hbm>>
        %dma_start3A_754 = tpu.memref_slice %arg2[%mul3A_752] : memref<819200xi32, #tpu.memory_space<hbm>> -> memref<256xi32, #tpu.memory_space<hbm>>
        tpu.enqueue_dma source(%dma_start3A_754 : memref<256xi32, #tpu.memory_space<hbm>>) target(%arg7 : memref<256xi32, #tpu.memory_space<vmem>>) target_semaphore(%arg14 : memref<!tpu.dma_semaphore, #tpu.memory_space<semaphore_mem>>)
      } else {
      }
      %ge3A_494 = arith.constant 2 : i32
      %ge3A_495 = arith.cmpi sge, %add3A_473, %ge3A_494 : i32
      %convert_element_type3A_496 = arith.extui %ge3A_495 : i1 to i32
      %cond3A_497 = arith.constant 0 : i32
      %cond3A_498 = arith.cmpi ne, %convert_element_type3A_496, %cond3A_497 : i32
      scf.if %cond3A_498 {
        %jit3A_748 = arith.constant 128 : i32
        %div3A_749 = arith.divsi %mul3A_2, %jit3A_748 : i32
        %sign3A_750 = arith.constant 0 : i32
        %sign3A_751 = arith.cmpi sgt, %mul3A_2, %sign3A_750 : i32
        %sign3A_752 = arith.extui %sign3A_751 : i1 to i32
        %sign3A_753 = arith.constant 0 : i32
        %sign3A_754 = arith.cmpi slt, %mul3A_2, %sign3A_753 : i32
        %sign3A_755 = arith.extui %sign3A_754 : i1 to i32
        %sign3A_756 = arith.subi %sign3A_752, %sign3A_755 : i32
        %sign3A_757 = arith.constant 0 : i32
        %sign3A_758 = arith.cmpi sgt, %jit3A_748, %sign3A_757 : i32
        %sign3A_759 = arith.extui %sign3A_758 : i1 to i32
        %sign3A_760 = arith.constant 0 : i32
        %sign3A_761 = arith.cmpi slt, %jit3A_748, %sign3A_760 : i32
        %sign3A_762 = arith.extui %sign3A_761 : i1 to i32
        %sign3A_763 = arith.subi %sign3A_759, %sign3A_762 : i32
        %ne3A_764 = arith.cmpi ne, %sign3A_756, %sign3A_763 : i32
        %rem3A_765 = arith.remsi %mul3A_2, %jit3A_748 : i32
        %ne3A_766 = arith.constant 0 : i32
        %ne3A_767 = arith.cmpi ne, %rem3A_765, %ne3A_766 : i32
        %and3A_768 = arith.andi %ne3A_764, %ne3A_767 : i1
        %sub3A_769 = arith.constant 1 : i32
        %sub3A_770 = arith.subi %div3A_749, %sub3A_769 : i32
        %select_n3A_771 = arith.select %and3A_768, %sub3A_770, %div3A_749 : i32
        %jit3A_772 = arith.constant 128 : i32
        %eq3A_773 = arith.constant 0 : i32
        %eq3A_774 = arith.cmpi eq, %jit3A_772, %eq3A_773 : i32
        %jit3A_775 = arith.constant 1 : i32
        %select_n3A_776 = arith.select %eq3A_774, %jit3A_775, %jit3A_772 : i32
        %rem3A_777 = arith.remsi %mul3A_2, %select_n3A_776 : i32
        %ne3A_778 = arith.constant 0 : i32
        %ne3A_779 = arith.cmpi ne, %rem3A_777, %ne3A_778 : i32
        %lt3A_780 = arith.constant 0 : i32
        %lt3A_781 = arith.cmpi slt, %rem3A_777, %lt3A_780 : i32
        %lt3A_782 = arith.constant 0 : i32
        %lt3A_783 = arith.cmpi slt, %select_n3A_776, %lt3A_782 : i32
        %ne3A_784 = arith.xori %lt3A_781, %lt3A_783 : i1
        %and3A_785 = arith.andi %ne3A_784, %ne3A_779 : i1
        %add3A_786 = arith.addi %rem3A_777, %select_n3A_776 : i32
        %select_n3A_787 = arith.select %and3A_785, %add3A_786, %rem3A_777 : i32
        %jit3A_788 = arith.constant 4 : i32
        %div3A_789 = arith.divsi %select_n3A_787, %jit3A_788 : i32
        %sign3A_790 = arith.constant 0 : i32
        %sign3A_791 = arith.cmpi sgt, %select_n3A_787, %sign3A_790 : i32
        %sign3A_792 = arith.extui %sign3A_791 : i1 to i32
        %sign3A_793 = arith.constant 0 : i32
        %sign3A_794 = arith.cmpi slt, %select_n3A_787, %sign3A_793 : i32
        %sign3A_795 = arith.extui %sign3A_794 : i1 to i32
        %sign3A_796 = arith.subi %sign3A_792, %sign3A_795 : i32
        %sign3A_797 = arith.constant 0 : i32
        %sign3A_798 = arith.cmpi sgt, %jit3A_788, %sign3A_797 : i32
        %sign3A_799 = arith.extui %sign3A_798 : i1 to i32
        %sign3A_800 = arith.constant 0 : i32
        %sign3A_801 = arith.cmpi slt, %jit3A_788, %sign3A_800 : i32
        %sign3A_802 = arith.extui %sign3A_801 : i1 to i32
        %sign3A_803 = arith.subi %sign3A_799, %sign3A_802 : i32
        %ne3A_804 = arith.cmpi ne, %sign3A_796, %sign3A_803 : i32
        %rem3A_805 = arith.remsi %select_n3A_787, %jit3A_788 : i32
        %ne3A_806 = arith.constant 0 : i32
        %ne3A_807 = arith.cmpi ne, %rem3A_805, %ne3A_806 : i32
        %and3A_808 = arith.andi %ne3A_804, %ne3A_807 : i1
        %sub3A_809 = arith.constant 1 : i32
        %sub3A_810 = arith.subi %div3A_789, %sub3A_809 : i32
        %select_n3A_811 = arith.select %and3A_808, %sub3A_810, %div3A_789 : i32
        %jit3A_812 = arith.constant 4 : i32
        %eq3A_813 = arith.constant 0 : i32
        %eq3A_814 = arith.cmpi eq, %jit3A_812, %eq3A_813 : i32
        %jit3A_815 = arith.constant 1 : i32
        %select_n3A_816 = arith.select %eq3A_814, %jit3A_815, %jit3A_812 : i32
        %rem3A_817 = arith.remsi %select_n3A_787, %select_n3A_816 : i32
        %ne3A_818 = arith.constant 0 : i32
        %ne3A_819 = arith.cmpi ne, %rem3A_817, %ne3A_818 : i32
        %lt3A_820 = arith.constant 0 : i32
        %lt3A_821 = arith.cmpi slt, %rem3A_817, %lt3A_820 : i32
        %lt3A_822 = arith.constant 0 : i32
        %lt3A_823 = arith.cmpi slt, %select_n3A_816, %lt3A_822 : i32
        %ne3A_824 = arith.xori %lt3A_821, %lt3A_823 : i1
        %and3A_825 = arith.andi %ne3A_824, %ne3A_819 : i1
        %add3A_826 = arith.addi %rem3A_817, %select_n3A_816 : i32
        %select_n3A_827 = arith.select %and3A_825, %add3A_826, %rem3A_817 : i32
        %mul3A_828 = arith.constant 128 : i32
        %mul3A_829 = arith.muli %select_n3A_811, %mul3A_828 : i32
        %mul3A_830 = arith.constant 8 : i32
        %mul3A_831 = arith.muli %select_n3A_771, %mul3A_830 : i32
        %mul3A_832 = arith.constant 2 : i32
        %mul3A_833 = arith.muli %select_n3A_827, %mul3A_832 : i32
        %add3A_834 = arith.addi %mul3A_831, %mul3A_833 : i32
        %dma_wait3A_835 = arith.constant 0 : i32
        %dma_wait3A_836 = tpu.memref_slice %arg5[%mul3A_829, %add3A_834, %dma_wait3A_835] : memref<4096x200x128xf32, #tpu.memory_space<hbm>> -> memref<128x2x64xf32, #tpu.memory_space<hbm>>
        %dma_wait3A_837 = arith.constant 0 : i32
        %dma_wait3A_838 = tpu.memref_slice %arg5[%mul3A_829, %add3A_834, %dma_wait3A_837] : memref<4096x200x128xf32, #tpu.memory_space<hbm>> -> memref<128x2x64xf32, #tpu.memory_space<hbm>>
        tpu.wait_dma2 semaphore(%arg18 : memref<!tpu.dma_semaphore, #tpu.memory_space<semaphore_mem>>) src(%arg11 : memref<128x2x64xf32, #tpu.memory_space<vmem>>) dst(%dma_wait3A_838 : memref<128x2x64xf32, #tpu.memory_space<hbm>>)
      } else {
      }
      %add3A_499 = arith.addi %mul3A_2, %add3A_473 : i32
      %jit3A_500 = arith.constant 128 : i32
      %div3A_501 = arith.divsi %add3A_499, %jit3A_500 : i32
      %sign3A_502 = arith.constant 0 : i32
      %sign3A_503 = arith.cmpi sgt, %add3A_499, %sign3A_502 : i32
      %sign3A_504 = arith.extui %sign3A_503 : i1 to i32
      %sign3A_505 = arith.constant 0 : i32
      %sign3A_506 = arith.cmpi slt, %add3A_499, %sign3A_505 : i32
      %sign3A_507 = arith.extui %sign3A_506 : i1 to i32
      %sign3A_508 = arith.subi %sign3A_504, %sign3A_507 : i32
      %sign3A_509 = arith.constant 0 : i32
      %sign3A_510 = arith.cmpi sgt, %jit3A_500, %sign3A_509 : i32
      %sign3A_511 = arith.extui %sign3A_510 : i1 to i32
      %sign3A_512 = arith.constant 0 : i32
      %sign3A_513 = arith.cmpi slt, %jit3A_500, %sign3A_512 : i32
      %sign3A_514 = arith.extui %sign3A_513 : i1 to i32
      %sign3A_515 = arith.subi %sign3A_511, %sign3A_514 : i32
      %ne3A_516 = arith.cmpi ne, %sign3A_508, %sign3A_515 : i32
      %rem3A_517 = arith.remsi %add3A_499, %jit3A_500 : i32
      %ne3A_518 = arith.constant 0 : i32
      %ne3A_519 = arith.cmpi ne, %rem3A_517, %ne3A_518 : i32
      %and3A_520 = arith.andi %ne3A_516, %ne3A_519 : i1
      %sub3A_521 = arith.constant 1 : i32
      %sub3A_522 = arith.subi %div3A_501, %sub3A_521 : i32
      %select_n3A_523 = arith.select %and3A_520, %sub3A_522, %div3A_501 : i32
      %jit3A_524 = arith.constant 4 : i32
      %eq3A_525 = arith.constant 0 : i32
      %eq3A_526 = arith.cmpi eq, %jit3A_524, %eq3A_525 : i32
      %jit3A_527 = arith.constant 1 : i32
      %select_n3A_528 = arith.select %eq3A_526, %jit3A_527, %jit3A_524 : i32
      %rem3A_529 = arith.remsi %add3A_499, %select_n3A_528 : i32
      %ne3A_530 = arith.constant 0 : i32
      %ne3A_531 = arith.cmpi ne, %rem3A_529, %ne3A_530 : i32
      %lt3A_532 = arith.constant 0 : i32
      %lt3A_533 = arith.cmpi slt, %rem3A_529, %lt3A_532 : i32
      %lt3A_534 = arith.constant 0 : i32
      %lt3A_535 = arith.cmpi slt, %select_n3A_528, %lt3A_534 : i32
      %ne3A_536 = arith.xori %lt3A_533, %lt3A_535 : i1
      %and3A_537 = arith.andi %ne3A_536, %ne3A_531 : i1
      %add3A_538 = arith.addi %rem3A_529, %select_n3A_528 : i32
      %select_n3A_539 = arith.select %and3A_537, %add3A_538, %rem3A_529 : i32
      %mul3A_540 = arith.constant 8 : i32
      %mul3A_541 = arith.muli %select_n3A_523, %mul3A_540 : i32
      %mul3A_542 = arith.constant 2 : i32
      %mul3A_543 = arith.muli %select_n3A_539, %mul3A_542 : i32
      %add3A_544 = arith.addi %mul3A_541, %mul3A_543 : i32
      %add3A_545 = arith.constant 0 : i32
      %add3A_546 = arith.addi %add3A_544, %add3A_545 : i32
      %mul3A_547 = arith.constant 64 : i32
      %mul3A_548 = arith.muli %add3A_546, %mul3A_547 : i32
      %add3A_549 = arith.constant 0 : i32
      %add3A_550 = arith.addi %mul3A_548, %add3A_549 : i32
      %get3A_551 = arith.index_cast %add3A_550 : i32 to index
      %get3A_552 = tpu.vector_load %arg12[%get3A_551] {strides = array<i32>} : memref<12800xf32, #tpu.memory_space<vmem>>, vector<16xf32>,
      %get3A_553 = vector.shape_cast %get3A_552 : vector<16xf32> to vector<16xf32>
      %mul3A_554 = arith.constant 8 : i32
      %mul3A_555 = arith.muli %select_n3A_523, %mul3A_554 : i32
      %mul3A_556 = arith.constant 2 : i32
      %mul3A_557 = arith.muli %select_n3A_539, %mul3A_556 : i32
      %add3A_558 = arith.addi %mul3A_555, %mul3A_557 : i32
      %add3A_559 = arith.constant 0 : i32
      %add3A_560 = arith.addi %add3A_558, %add3A_559 : i32
      %mul3A_561 = arith.constant 64 : i32
      %mul3A_562 = arith.muli %add3A_560, %mul3A_561 : i32
      %add3A_563 = arith.constant 16 : i32
      %add3A_564 = arith.addi %mul3A_562, %add3A_563 : i32
      %get3A_565 = arith.index_cast %add3A_564 : i32 to index
      %get3A_566 = tpu.vector_load %arg12[%get3A_565] {strides = array<i32>} : memref<12800xf32, #tpu.memory_space<vmem>>, vector<16xf32>,
      %get3A_567 = vector.shape_cast %get3A_566 : vector<16xf32> to vector<16xf32>
      %mul3A_568 = arith.constant 8 : i32
      %mul3A_569 = arith.muli %select_n3A_523, %mul3A_568 : i32
      %mul3A_570 = arith.constant 2 : i32
      %mul3A_571 = arith.muli %select_n3A_539, %mul3A_570 : i32
      %add3A_572 = arith.addi %mul3A_569, %mul3A_571 : i32
      %add3A_573 = arith.constant 0 : i32
      %add3A_574 = arith.addi %add3A_572, %add3A_573 : i32
      %mul3A_575 = arith.constant 64 : i32
      %mul3A_576 = arith.muli %add3A_574, %mul3A_575 : i32
      %add3A_577 = arith.constant 32 : i32
      %add3A_578 = arith.addi %mul3A_576, %add3A_577 : i32
      %get3A_579 = arith.index_cast %add3A_578 : i32 to index
      %get3A_580 = tpu.vector_load %arg12[%get3A_579] {strides = array<i32>} : memref<12800xf32, #tpu.memory_space<vmem>>, vector<16xf32>,
      %get3A_581 = vector.shape_cast %get3A_580 : vector<16xf32> to vector<16xf32>
      %mul3A_582 = arith.constant 8 : i32
      %mul3A_583 = arith.muli %select_n3A_523, %mul3A_582 : i32
      %mul3A_584 = arith.constant 2 : i32
      %mul3A_585 = arith.muli %select_n3A_539, %mul3A_584 : i32
      %add3A_586 = arith.addi %mul3A_583, %mul3A_585 : i32
      %add3A_587 = arith.constant 0 : i32
      %add3A_588 = arith.addi %add3A_586, %add3A_587 : i32
      %mul3A_589 = arith.constant 64 : i32
      %mul3A_590 = arith.muli %add3A_588, %mul3A_589 : i32
      %add3A_591 = arith.constant 48 : i32
      %add3A_592 = arith.addi %mul3A_590, %add3A_591 : i32
      %get3A_593 = arith.index_cast %add3A_592 : i32 to index
      %get3A_594 = tpu.vector_load %arg12[%get3A_593] {strides = array<i32>} : memref<12800xf32, #tpu.memory_space<vmem>>, vector<16xf32>,
      %get3A_595 = vector.shape_cast %get3A_594 : vector<16xf32> to vector<16xf32>
      %mul3A_596 = arith.constant 8 : i32
      %mul3A_597 = arith.muli %select_n3A_523, %mul3A_596 : i32
      %mul3A_598 = arith.constant 2 : i32
      %mul3A_599 = arith.muli %select_n3A_539, %mul3A_598 : i32
      %add3A_600 = arith.addi %mul3A_597, %mul3A_599 : i32
      %add3A_601 = arith.constant 1 : i32
      %add3A_602 = arith.addi %add3A_600, %add3A_601 : i32
      %mul3A_603 = arith.constant 64 : i32
      %mul3A_604 = arith.muli %add3A_602, %mul3A_603 : i32
      %add3A_605 = arith.constant 0 : i32
      %add3A_606 = arith.addi %mul3A_604, %add3A_605 : i32
      %get3A_607 = arith.index_cast %add3A_606 : i32 to index
      %get3A_608 = tpu.vector_load %arg12[%get3A_607] {strides = array<i32>} : memref<12800xf32, #tpu.memory_space<vmem>>, vector<16xf32>,
      %get3A_609 = vector.shape_cast %get3A_608 : vector<16xf32> to vector<16xf32>
      %mul3A_610 = arith.constant 8 : i32
      %mul3A_611 = arith.muli %select_n3A_523, %mul3A_610 : i32
      %mul3A_612 = arith.constant 2 : i32
      %mul3A_613 = arith.muli %select_n3A_539, %mul3A_612 : i32
      %add3A_614 = arith.addi %mul3A_611, %mul3A_613 : i32
      %add3A_615 = arith.constant 1 : i32
      %add3A_616 = arith.addi %add3A_614, %add3A_615 : i32
      %mul3A_617 = arith.constant 64 : i32
      %mul3A_618 = arith.muli %add3A_616, %mul3A_617 : i32
      %add3A_619 = arith.constant 16 : i32
      %add3A_620 = arith.addi %mul3A_618, %add3A_619 : i32
      %get3A_621 = arith.index_cast %add3A_620 : i32 to index
      %get3A_622 = tpu.vector_load %arg12[%get3A_621] {strides = array<i32>} : memref<12800xf32, #tpu.memory_space<vmem>>, vector<16xf32>,
      %get3A_623 = vector.shape_cast %get3A_622 : vector<16xf32> to vector<16xf32>
      %mul3A_624 = arith.constant 8 : i32
      %mul3A_625 = arith.muli %select_n3A_523, %mul3A_624 : i32
      %mul3A_626 = arith.constant 2 : i32
      %mul3A_627 = arith.muli %select_n3A_539, %mul3A_626 : i32
      %add3A_628 = arith.addi %mul3A_625, %mul3A_627 : i32
      %add3A_629 = arith.constant 1 : i32
      %add3A_630 = arith.addi %add3A_628, %add3A_629 : i32
      %mul3A_631 = arith.constant 64 : i32
      %mul3A_632 = arith.muli %add3A_630, %mul3A_631 : i32
      %add3A_633 = arith.constant 32 : i32
      %add3A_634 = arith.addi %mul3A_632, %add3A_633 : i32
      %get3A_635 = arith.index_cast %add3A_634 : i32 to index
      %get3A_636 = tpu.vector_load %arg12[%get3A_635] {strides = array<i32>} : memref<12800xf32, #tpu.memory_space<vmem>>, vector<16xf32>,
      %get3A_637 = vector.shape_cast %get3A_636 : vector<16xf32> to vector<16xf32>
      %mul3A_638 = arith.constant 8 : i32
      %mul3A_639 = arith.muli %select_n3A_523, %mul3A_638 : i32
      %mul3A_640 = arith.constant 2 : i32
      %mul3A_641 = arith.muli %select_n3A_539, %mul3A_640 : i32
      %add3A_642 = arith.addi %mul3A_639, %mul3A_641 : i32
      %add3A_643 = arith.constant 1 : i32
      %add3A_644 = arith.addi %add3A_642, %add3A_643 : i32
      %mul3A_645 = arith.constant 64 : i32
      %mul3A_646 = arith.muli %add3A_644, %mul3A_645 : i32
      %add3A_647 = arith.constant 48 : i32
      %add3A_648 = arith.addi %mul3A_646, %add3A_647 : i32
      %get3A_649 = arith.index_cast %add3A_648 : i32 to index
      %get3A_650 = tpu.vector_load %arg12[%get3A_649] {strides = array<i32>} : memref<12800xf32, #tpu.memory_space<vmem>>, vector<16xf32>,
      %get3A_651 = vector.shape_cast %get3A_650 : vector<16xf32> to vector<16xf32>
      %parallel_loop3A_652 = arith.constant 0 : i32
      %parallel_loop3A_653 = arith.constant 128 : i32
      %parallel_loop3A_654 = arith.constant 1 : i32
      scf.for %parallel_loop3A_748 = %parallel_loop3A_652 to %parallel_loop3A_653 step %parallel_loop3A_654  : i32 {
        %parallel_loop3A_749 = arith.constant 0 : i32
        %parallel_loop3A_750 = arith.addi %parallel_loop3A_749, %parallel_loop3A_748 : i32
        %parallel_loop3A_751 = arith.index_cast %parallel_loop3A_750 : i32 to index
        %parallel_loop3A_752 = arith.constant 0 : index
        %parallel_loop3A_753 = tpu.vector_load %arg9[%parallel_loop3A_751, %parallel_loop3A_752] {strides = array<i32>} : memref<256x64xf32, #tpu.memory_space<vmem>>, vector<1x16xf32>,
        %parallel_loop3A_754 = vector.shape_cast %parallel_loop3A_753 : vector<1x16xf32> to vector<16xf32>
        %parallel_loop3A_755 = arith.constant 8.000000e+00 : f32
        %parallel_loop3A_756 = vector.broadcast %parallel_loop3A_755 : f32 to vector<16xf32>
        %parallel_loop3A_757 = arith.mulf %parallel_loop3A_754, %parallel_loop3A_756 : vector<16xf32>
        %parallel_loop3A_758 = arith.addf %parallel_loop3A_757, %get3A_553 : vector<16xf32>
        %parallel_loop3A_759 = arith.constant 0 : i32
        %parallel_loop3A_760 = arith.index_cast %parallel_loop3A_748 : i32 to index
        %parallel_loop3A_761 = arith.index_cast %parallel_loop3A_759 : i32 to index
        %parallel_loop3A_762 = arith.constant 0 : index
        %parallel_loop3A_763 = tpu.vector_load %arg11[%parallel_loop3A_760, %parallel_loop3A_761, %parallel_loop3A_762] {strides = array<i32>} : memref<128x2x64xf32, #tpu.memory_space<vmem>>, vector<1x1x16xf32>,
        %parallel_loop3A_764 = vector.shape_cast %parallel_loop3A_763 : vector<1x1x16xf32> to vector<16xf32>
        %parallel_loop3A_765 = vector.shape_cast %parallel_loop3A_758 : vector<16xf32> to vector<1x1x16xf32>
        tpu.vector_store %arg11[%parallel_loop3A_760, %parallel_loop3A_761, %parallel_loop3A_762], %parallel_loop3A_765 {strides = array<i32>} : memref<128x2x64xf32, #tpu.memory_space<vmem>>, vector<1x1x16xf32>,
        %parallel_loop3A_766 = arith.constant 0 : i32
        %parallel_loop3A_767 = arith.addi %parallel_loop3A_766, %parallel_loop3A_748 : i32
        %parallel_loop3A_768 = arith.index_cast %parallel_loop3A_767 : i32 to index
        %parallel_loop3A_769 = arith.constant 16 : index
        %parallel_loop3A_770 = tpu.vector_load %arg9[%parallel_loop3A_768, %parallel_loop3A_769] {strides = array<i32>} : memref<256x64xf32, #tpu.memory_space<vmem>>, vector<1x16xf32>,
        %parallel_loop3A_771 = vector.shape_cast %parallel_loop3A_770 : vector<1x16xf32> to vector<16xf32>
        %parallel_loop3A_772 = arith.constant 8.000000e+00 : f32
        %parallel_loop3A_773 = vector.broadcast %parallel_loop3A_772 : f32 to vector<16xf32>
        %parallel_loop3A_774 = arith.mulf %parallel_loop3A_771, %parallel_loop3A_773 : vector<16xf32>
        %parallel_loop3A_775 = arith.addf %parallel_loop3A_774, %get3A_567 : vector<16xf32>
        %parallel_loop3A_776 = arith.constant 0 : i32
        %parallel_loop3A_777 = arith.index_cast %parallel_loop3A_748 : i32 to index
        %parallel_loop3A_778 = arith.index_cast %parallel_loop3A_776 : i32 to index
        %parallel_loop3A_779 = arith.constant 16 : index
        %parallel_loop3A_780 = tpu.vector_load %arg11[%parallel_loop3A_777, %parallel_loop3A_778, %parallel_loop3A_779] {strides = array<i32>} : memref<128x2x64xf32, #tpu.memory_space<vmem>>, vector<1x1x16xf32>,
        %parallel_loop3A_781 = vector.shape_cast %parallel_loop3A_780 : vector<1x1x16xf32> to vector<16xf32>
        %parallel_loop3A_782 = vector.shape_cast %parallel_loop3A_775 : vector<16xf32> to vector<1x1x16xf32>
        tpu.vector_store %arg11[%parallel_loop3A_777, %parallel_loop3A_778, %parallel_loop3A_779], %parallel_loop3A_782 {strides = array<i32>} : memref<128x2x64xf32, #tpu.memory_space<vmem>>, vector<1x1x16xf32>,
        %parallel_loop3A_783 = arith.constant 0 : i32
        %parallel_loop3A_784 = arith.addi %parallel_loop3A_783, %parallel_loop3A_748 : i32
        %parallel_loop3A_785 = arith.index_cast %parallel_loop3A_784 : i32 to index
        %parallel_loop3A_786 = arith.constant 32 : index
        %parallel_loop3A_787 = tpu.vector_load %arg9[%parallel_loop3A_785, %parallel_loop3A_786] {strides = array<i32>} : memref<256x64xf32, #tpu.memory_space<vmem>>, vector<1x16xf32>,
        %parallel_loop3A_788 = vector.shape_cast %parallel_loop3A_787 : vector<1x16xf32> to vector<16xf32>
        %parallel_loop3A_789 = arith.constant 8.000000e+00 : f32
        %parallel_loop3A_790 = vector.broadcast %parallel_loop3A_789 : f32 to vector<16xf32>
        %parallel_loop3A_791 = arith.mulf %parallel_loop3A_788, %parallel_loop3A_790 : vector<16xf32>
        %parallel_loop3A_792 = arith.addf %parallel_loop3A_791, %get3A_581 : vector<16xf32>
        %parallel_loop3A_793 = arith.constant 0 : i32
        %parallel_loop3A_794 = arith.index_cast %parallel_loop3A_748 : i32 to index
        %parallel_loop3A_795 = arith.index_cast %parallel_loop3A_793 : i32 to index
        %parallel_loop3A_796 = arith.constant 32 : index
        %parallel_loop3A_797 = tpu.vector_load %arg11[%parallel_loop3A_794, %parallel_loop3A_795, %parallel_loop3A_796] {strides = array<i32>} : memref<128x2x64xf32, #tpu.memory_space<vmem>>, vector<1x1x16xf32>,
        %parallel_loop3A_798 = vector.shape_cast %parallel_loop3A_797 : vector<1x1x16xf32> to vector<16xf32>
        %parallel_loop3A_799 = vector.shape_cast %parallel_loop3A_792 : vector<16xf32> to vector<1x1x16xf32>
        tpu.vector_store %arg11[%parallel_loop3A_794, %parallel_loop3A_795, %parallel_loop3A_796], %parallel_loop3A_799 {strides = array<i32>} : memref<128x2x64xf32, #tpu.memory_space<vmem>>, vector<1x1x16xf32>,
        %parallel_loop3A_800 = arith.constant 0 : i32
        %parallel_loop3A_801 = arith.addi %parallel_loop3A_800, %parallel_loop3A_748 : i32
        %parallel_loop3A_802 = arith.index_cast %parallel_loop3A_801 : i32 to index
        %parallel_loop3A_803 = arith.constant 48 : index
        %parallel_loop3A_804 = tpu.vector_load %arg9[%parallel_loop3A_802, %parallel_loop3A_803] {strides = array<i32>} : memref<256x64xf32, #tpu.memory_space<vmem>>, vector<1x16xf32>,
        %parallel_loop3A_805 = vector.shape_cast %parallel_loop3A_804 : vector<1x16xf32> to vector<16xf32>
        %parallel_loop3A_806 = arith.constant 8.000000e+00 : f32
        %parallel_loop3A_807 = vector.broadcast %parallel_loop3A_806 : f32 to vector<16xf32>
        %parallel_loop3A_808 = arith.mulf %parallel_loop3A_805, %parallel_loop3A_807 : vector<16xf32>
        %parallel_loop3A_809 = arith.addf %parallel_loop3A_808, %get3A_595 : vector<16xf32>
        %parallel_loop3A_810 = arith.constant 0 : i32
        %parallel_loop3A_811 = arith.index_cast %parallel_loop3A_748 : i32 to index
        %parallel_loop3A_812 = arith.index_cast %parallel_loop3A_810 : i32 to index
        %parallel_loop3A_813 = arith.constant 48 : index
        %parallel_loop3A_814 = tpu.vector_load %arg11[%parallel_loop3A_811, %parallel_loop3A_812, %parallel_loop3A_813] {strides = array<i32>} : memref<128x2x64xf32, #tpu.memory_space<vmem>>, vector<1x1x16xf32>,
        %parallel_loop3A_815 = vector.shape_cast %parallel_loop3A_814 : vector<1x1x16xf32> to vector<16xf32>
        %parallel_loop3A_816 = vector.shape_cast %parallel_loop3A_809 : vector<16xf32> to vector<1x1x16xf32>
        tpu.vector_store %arg11[%parallel_loop3A_811, %parallel_loop3A_812, %parallel_loop3A_813], %parallel_loop3A_816 {strides = array<i32>} : memref<128x2x64xf32, #tpu.memory_space<vmem>>, vector<1x1x16xf32>,
        %parallel_loop3A_817 = arith.constant 128 : i32
        %parallel_loop3A_818 = arith.addi %parallel_loop3A_817, %parallel_loop3A_748 : i32
        %parallel_loop3A_819 = arith.index_cast %parallel_loop3A_818 : i32 to index
        %parallel_loop3A_820 = arith.constant 0 : index
        %parallel_loop3A_821 = tpu.vector_load %arg9[%parallel_loop3A_819, %parallel_loop3A_820] {strides = array<i32>} : memref<256x64xf32, #tpu.memory_space<vmem>>, vector<1x16xf32>,
        %parallel_loop3A_822 = vector.shape_cast %parallel_loop3A_821 : vector<1x16xf32> to vector<16xf32>
        %parallel_loop3A_823 = arith.constant 8.000000e+00 : f32
        %parallel_loop3A_824 = vector.broadcast %parallel_loop3A_823 : f32 to vector<16xf32>
        %parallel_loop3A_825 = arith.mulf %parallel_loop3A_822, %parallel_loop3A_824 : vector<16xf32>
        %parallel_loop3A_826 = arith.addf %parallel_loop3A_825, %get3A_609 : vector<16xf32>
        %parallel_loop3A_827 = arith.constant 1 : i32
        %parallel_loop3A_828 = arith.index_cast %parallel_loop3A_748 : i32 to index
        %parallel_loop3A_829 = arith.index_cast %parallel_loop3A_827 : i32 to index
        %parallel_loop3A_830 = arith.constant 0 : index
        %parallel_loop3A_831 = tpu.vector_load %arg11[%parallel_loop3A_828, %parallel_loop3A_829, %parallel_loop3A_830] {strides = array<i32>} : memref<128x2x64xf32, #tpu.memory_space<vmem>>, vector<1x1x16xf32>,
        %parallel_loop3A_832 = vector.shape_cast %parallel_loop3A_831 : vector<1x1x16xf32> to vector<16xf32>
        %parallel_loop3A_833 = vector.shape_cast %parallel_loop3A_826 : vector<16xf32> to vector<1x1x16xf32>
        tpu.vector_store %arg11[%parallel_loop3A_828, %parallel_loop3A_829, %parallel_loop3A_830], %parallel_loop3A_833 {strides = array<i32>} : memref<128x2x64xf32, #tpu.memory_space<vmem>>, vector<1x1x16xf32>,
        %parallel_loop3A_834 = arith.constant 128 : i32
        %parallel_loop3A_835 = arith.addi %parallel_loop3A_834, %parallel_loop3A_748 : i32
        %parallel_loop3A_836 = arith.index_cast %parallel_loop3A_835 : i32 to index
        %parallel_loop3A_837 = arith.constant 16 : index
        %parallel_loop3A_838 = tpu.vector_load %arg9[%parallel_loop3A_836, %parallel_loop3A_837] {strides = array<i32>} : memref<256x64xf32, #tpu.memory_space<vmem>>, vector<1x16xf32>,
        %parallel_loop3A_839 = vector.shape_cast %parallel_loop3A_838 : vector<1x16xf32> to vector<16xf32>
        %parallel_loop3A_840 = arith.constant 8.000000e+00 : f32
        %parallel_loop3A_841 = vector.broadcast %parallel_loop3A_840 : f32 to vector<16xf32>
        %parallel_loop3A_842 = arith.mulf %parallel_loop3A_839, %parallel_loop3A_841 : vector<16xf32>
        %parallel_loop3A_843 = arith.addf %parallel_loop3A_842, %get3A_623 : vector<16xf32>
        %parallel_loop3A_844 = arith.constant 1 : i32
        %parallel_loop3A_845 = arith.index_cast %parallel_loop3A_748 : i32 to index
        %parallel_loop3A_846 = arith.index_cast %parallel_loop3A_844 : i32 to index
        %parallel_loop3A_847 = arith.constant 16 : index
        %parallel_loop3A_848 = tpu.vector_load %arg11[%parallel_loop3A_845, %parallel_loop3A_846, %parallel_loop3A_847] {strides = array<i32>} : memref<128x2x64xf32, #tpu.memory_space<vmem>>, vector<1x1x16xf32>,
        %parallel_loop3A_849 = vector.shape_cast %parallel_loop3A_848 : vector<1x1x16xf32> to vector<16xf32>
        %parallel_loop3A_850 = vector.shape_cast %parallel_loop3A_843 : vector<16xf32> to vector<1x1x16xf32>
        tpu.vector_store %arg11[%parallel_loop3A_845, %parallel_loop3A_846, %parallel_loop3A_847], %parallel_loop3A_850 {strides = array<i32>} : memref<128x2x64xf32, #tpu.memory_space<vmem>>, vector<1x1x16xf32>,
        %parallel_loop3A_851 = arith.constant 128 : i32
        %parallel_loop3A_852 = arith.addi %parallel_loop3A_851, %parallel_loop3A_748 : i32
        %parallel_loop3A_853 = arith.index_cast %parallel_loop3A_852 : i32 to index
        %parallel_loop3A_854 = arith.constant 32 : index
        %parallel_loop3A_855 = tpu.vector_load %arg9[%parallel_loop3A_853, %parallel_loop3A_854] {strides = array<i32>} : memref<256x64xf32, #tpu.memory_space<vmem>>, vector<1x16xf32>,
        %parallel_loop3A_856 = vector.shape_cast %parallel_loop3A_855 : vector<1x16xf32> to vector<16xf32>
        %parallel_loop3A_857 = arith.constant 8.000000e+00 : f32
        %parallel_loop3A_858 = vector.broadcast %parallel_loop3A_857 : f32 to vector<16xf32>
        %parallel_loop3A_859 = arith.mulf %parallel_loop3A_856, %parallel_loop3A_858 : vector<16xf32>
        %parallel_loop3A_860 = arith.addf %parallel_loop3A_859, %get3A_637 : vector<16xf32>
        %parallel_loop3A_861 = arith.constant 1 : i32
        %parallel_loop3A_862 = arith.index_cast %parallel_loop3A_748 : i32 to index
        %parallel_loop3A_863 = arith.index_cast %parallel_loop3A_861 : i32 to index
        %parallel_loop3A_864 = arith.constant 32 : index
        %parallel_loop3A_865 = tpu.vector_load %arg11[%parallel_loop3A_862, %parallel_loop3A_863, %parallel_loop3A_864] {strides = array<i32>} : memref<128x2x64xf32, #tpu.memory_space<vmem>>, vector<1x1x16xf32>,
        %parallel_loop3A_866 = vector.shape_cast %parallel_loop3A_865 : vector<1x1x16xf32> to vector<16xf32>
        %parallel_loop3A_867 = vector.shape_cast %parallel_loop3A_860 : vector<16xf32> to vector<1x1x16xf32>
        tpu.vector_store %arg11[%parallel_loop3A_862, %parallel_loop3A_863, %parallel_loop3A_864], %parallel_loop3A_867 {strides = array<i32>} : memref<128x2x64xf32, #tpu.memory_space<vmem>>, vector<1x1x16xf32>,
        %parallel_loop3A_868 = arith.constant 128 : i32
        %parallel_loop3A_869 = arith.addi %parallel_loop3A_868, %parallel_loop3A_748 : i32
        %parallel_loop3A_870 = arith.index_cast %parallel_loop3A_869 : i32 to index
        %parallel_loop3A_871 = arith.constant 48 : index
        %parallel_loop3A_872 = tpu.vector_load %arg9[%parallel_loop3A_870, %parallel_loop3A_871] {strides = array<i32>} : memref<256x64xf32, #tpu.memory_space<vmem>>, vector<1x16xf32>,
        %parallel_loop3A_873 = vector.shape_cast %parallel_loop3A_872 : vector<1x16xf32> to vector<16xf32>
        %parallel_loop3A_874 = arith.constant 8.000000e+00 : f32
        %parallel_loop3A_875 = vector.broadcast %parallel_loop3A_874 : f32 to vector<16xf32>
        %parallel_loop3A_876 = arith.mulf %parallel_loop3A_873, %parallel_loop3A_875 : vector<16xf32>
        %parallel_loop3A_877 = arith.addf %parallel_loop3A_876, %get3A_651 : vector<16xf32>
        %parallel_loop3A_878 = arith.constant 1 : i32
        %parallel_loop3A_879 = arith.index_cast %parallel_loop3A_748 : i32 to index
        %parallel_loop3A_880 = arith.index_cast %parallel_loop3A_878 : i32 to index
        %parallel_loop3A_881 = arith.constant 48 : index
        %parallel_loop3A_882 = tpu.vector_load %arg11[%parallel_loop3A_879, %parallel_loop3A_880, %parallel_loop3A_881] {strides = array<i32>} : memref<128x2x64xf32, #tpu.memory_space<vmem>>, vector<1x1x16xf32>,
        %parallel_loop3A_883 = vector.shape_cast %parallel_loop3A_882 : vector<1x1x16xf32> to vector<16xf32>
        %parallel_loop3A_884 = vector.shape_cast %parallel_loop3A_877 : vector<16xf32> to vector<1x1x16xf32>
        tpu.vector_store %arg11[%parallel_loop3A_879, %parallel_loop3A_880, %parallel_loop3A_881], %parallel_loop3A_884 {strides = array<i32>} : memref<128x2x64xf32, #tpu.memory_space<vmem>>, vector<1x1x16xf32>,
      } {sc.loop_unroll_factor = 4 : i64, sc.parallel_access}
      %add3A_655 = arith.addi %mul3A_2, %add3A_473 : i32
      %jit3A_656 = arith.constant 128 : i32
      %div3A_657 = arith.divsi %add3A_655, %jit3A_656 : i32
      %sign3A_658 = arith.constant 0 : i32
      %sign3A_659 = arith.cmpi sgt, %add3A_655, %sign3A_658 : i32
      %sign3A_660 = arith.extui %sign3A_659 : i1 to i32
      %sign3A_661 = arith.constant 0 : i32
      %sign3A_662 = arith.cmpi slt, %add3A_655, %sign3A_661 : i32
      %sign3A_663 = arith.extui %sign3A_662 : i1 to i32
      %sign3A_664 = arith.subi %sign3A_660, %sign3A_663 : i32
      %sign3A_665 = arith.constant 0 : i32
      %sign3A_666 = arith.cmpi sgt, %jit3A_656, %sign3A_665 : i32
      %sign3A_667 = arith.extui %sign3A_666 : i1 to i32
      %sign3A_668 = arith.constant 0 : i32
      %sign3A_669 = arith.cmpi slt, %jit3A_656, %sign3A_668 : i32
      %sign3A_670 = arith.extui %sign3A_669 : i1 to i32
      %sign3A_671 = arith.subi %sign3A_667, %sign3A_670 : i32
      %ne3A_672 = arith.cmpi ne, %sign3A_664, %sign3A_671 : i32
      %rem3A_673 = arith.remsi %add3A_655, %jit3A_656 : i32
      %ne3A_674 = arith.constant 0 : i32
      %ne3A_675 = arith.cmpi ne, %rem3A_673, %ne3A_674 : i32
      %and3A_676 = arith.andi %ne3A_672, %ne3A_675 : i1
      %sub3A_677 = arith.constant 1 : i32
      %sub3A_678 = arith.subi %div3A_657, %sub3A_677 : i32
      %select_n3A_679 = arith.select %and3A_676, %sub3A_678, %div3A_657 : i32
      %jit3A_680 = arith.constant 128 : i32
      %eq3A_681 = arith.constant 0 : i32
      %eq3A_682 = arith.cmpi eq, %jit3A_680, %eq3A_681 : i32
      %jit3A_683 = arith.constant 1 : i32
      %select_n3A_684 = arith.select %eq3A_682, %jit3A_683, %jit3A_680 : i32
      %rem3A_685 = arith.remsi %add3A_655, %select_n3A_684 : i32
      %ne3A_686 = arith.constant 0 : i32
      %ne3A_687 = arith.cmpi ne, %rem3A_685, %ne3A_686 : i32
      %lt3A_688 = arith.constant 0 : i32
      %lt3A_689 = arith.cmpi slt, %rem3A_685, %lt3A_688 : i32
      %lt3A_690 = arith.constant 0 : i32
      %lt3A_691 = arith.cmpi slt, %select_n3A_684, %lt3A_690 : i32
      %ne3A_692 = arith.xori %lt3A_689, %lt3A_691 : i1
      %and3A_693 = arith.andi %ne3A_692, %ne3A_687 : i1
      %add3A_694 = arith.addi %rem3A_685, %select_n3A_684 : i32
      %select_n3A_695 = arith.select %and3A_693, %add3A_694, %rem3A_685 : i32
      %jit3A_696 = arith.constant 4 : i32
      %div3A_697 = arith.divsi %select_n3A_695, %jit3A_696 : i32
      %sign3A_698 = arith.constant 0 : i32
      %sign3A_699 = arith.cmpi sgt, %select_n3A_695, %sign3A_698 : i32
      %sign3A_700 = arith.extui %sign3A_699 : i1 to i32
      %sign3A_701 = arith.constant 0 : i32
      %sign3A_702 = arith.cmpi slt, %select_n3A_695, %sign3A_701 : i32
      %sign3A_703 = arith.extui %sign3A_702 : i1 to i32
      %sign3A_704 = arith.subi %sign3A_700, %sign3A_703 : i32
      %sign3A_705 = arith.constant 0 : i32
      %sign3A_706 = arith.cmpi sgt, %jit3A_696, %sign3A_705 : i32
      %sign3A_707 = arith.extui %sign3A_706 : i1 to i32
      %sign3A_708 = arith.constant 0 : i32
      %sign3A_709 = arith.cmpi slt, %jit3A_696, %sign3A_708 : i32
      %sign3A_710 = arith.extui %sign3A_709 : i1 to i32
      %sign3A_711 = arith.subi %sign3A_707, %sign3A_710 : i32
      %ne3A_712 = arith.cmpi ne, %sign3A_704, %sign3A_711 : i32
      %rem3A_713 = arith.remsi %select_n3A_695, %jit3A_696 : i32
      %ne3A_714 = arith.constant 0 : i32
      %ne3A_715 = arith.cmpi ne, %rem3A_713, %ne3A_714 : i32
      %and3A_716 = arith.andi %ne3A_712, %ne3A_715 : i1
      %sub3A_717 = arith.constant 1 : i32
      %sub3A_718 = arith.subi %div3A_697, %sub3A_717 : i32
      %select_n3A_719 = arith.select %and3A_716, %sub3A_718, %div3A_697 : i32
      %jit3A_720 = arith.constant 4 : i32
      %eq3A_721 = arith.constant 0 : i32
      %eq3A_722 = arith.cmpi eq, %jit3A_720, %eq3A_721 : i32
      %jit3A_723 = arith.constant 1 : i32
      %select_n3A_724 = arith.select %eq3A_722, %jit3A_723, %jit3A_720 : i32
      %rem3A_725 = arith.remsi %select_n3A_695, %select_n3A_724 : i32
      %ne3A_726 = arith.constant 0 : i32
      %ne3A_727 = arith.cmpi ne, %rem3A_725, %ne3A_726 : i32
      %lt3A_728 = arith.constant 0 : i32
      %lt3A_729 = arith.cmpi slt, %rem3A_725, %lt3A_728 : i32
      %lt3A_730 = arith.constant 0 : i32
      %lt3A_731 = arith.cmpi slt, %select_n3A_724, %lt3A_730 : i32
      %ne3A_732 = arith.xori %lt3A_729, %lt3A_731 : i1
      %and3A_733 = arith.andi %ne3A_732, %ne3A_727 : i1
      %add3A_734 = arith.addi %rem3A_725, %select_n3A_724 : i32
      %select_n3A_735 = arith.select %and3A_733, %add3A_734, %rem3A_725 : i32
      %mul3A_736 = arith.constant 128 : i32
      %mul3A_737 = arith.muli %select_n3A_719, %mul3A_736 : i32
      %mul3A_738 = arith.constant 8 : i32
      %mul3A_739 = arith.muli %select_n3A_679, %mul3A_738 : i32
      %mul3A_740 = arith.constant 2 : i32
      %mul3A_741 = arith.muli %select_n3A_735, %mul3A_740 : i32
      %add3A_742 = arith.addi %mul3A_739, %mul3A_741 : i32
      %dma_start3A_743 = arith.constant 0 : i32
      %dma_start3A_744 = tpu.memref_slice %arg5[%mul3A_737, %add3A_742, %dma_start3A_743] : memref<4096x200x128xf32, #tpu.memory_space<hbm>> -> memref<128x2x64xf32, #tpu.memory_space<hbm>>
      %dma_start3A_745 = arith.constant 0 : i32
      %dma_start3A_746 = tpu.memref_slice %arg5[%mul3A_737, %add3A_742, %dma_start3A_745] : memref<4096x200x128xf32, #tpu.memory_space<hbm>> -> memref<128x2x64xf32, #tpu.memory_space<hbm>>
      tpu.enqueue_dma source(%arg11 : memref<128x2x64xf32, #tpu.memory_space<vmem>>) target(%dma_start3A_746 : memref<128x2x64xf32, #tpu.memory_space<hbm>>) target_semaphore(%arg18 : memref<!tpu.dma_semaphore, #tpu.memory_space<semaphore_mem>>)
      %scan3A_747 = arith.constant 0 : i32
      scf.yield %scan3A_747 : i32
    }
    %scan3A_25 = arith.constant 50 : i32
    %jit3A = arith.constant 128 : i32
    %div3A = arith.divsi %mul3A_2, %jit3A : i32
    %sign3A = arith.constant 0 : i32
    %sign3A_26 = arith.cmpi sgt, %mul3A_2, %sign3A : i32
    %sign3A_27 = arith.extui %sign3A_26 : i1 to i32
    %sign3A_28 = arith.constant 0 : i32
    %sign3A_29 = arith.cmpi slt, %mul3A_2, %sign3A_28 : i32
    %sign3A_30 = arith.extui %sign3A_29 : i1 to i32
    %sign3A_31 = arith.subi %sign3A_27, %sign3A_30 : i32
    %sign3A_32 = arith.constant 0 : i32
    %sign3A_33 = arith.cmpi sgt, %jit3A, %sign3A_32 : i32
    %sign3A_34 = arith.extui %sign3A_33 : i1 to i32
    %sign3A_35 = arith.constant 0 : i32
    %sign3A_36 = arith.cmpi slt, %jit3A, %sign3A_35 : i32
    %sign3A_37 = arith.extui %sign3A_36 : i1 to i32
    %sign3A_38 = arith.subi %sign3A_34, %sign3A_37 : i32
    %ne3A = arith.cmpi ne, %sign3A_31, %sign3A_38 : i32
    %rem3A = arith.remsi %mul3A_2, %jit3A : i32
    %ne3A_39 = arith.constant 0 : i32
    %ne3A_40 = arith.cmpi ne, %rem3A, %ne3A_39 : i32
    %and3A = arith.andi %ne3A, %ne3A_40 : i1
    %sub3A = arith.constant 1 : i32
    %sub3A_41 = arith.subi %div3A, %sub3A : i32
    %select_n3A = arith.select %and3A, %sub3A_41, %div3A : i32
    %jit3A_42 = arith.constant 128 : i32
    %eq3A = arith.constant 0 : i32
    %eq3A_43 = arith.cmpi eq, %jit3A_42, %eq3A : i32
    %jit3A_44 = arith.constant 1 : i32
    %select_n3A_45 = arith.select %eq3A_43, %jit3A_44, %jit3A_42 : i32
    %rem3A_46 = arith.remsi %mul3A_2, %select_n3A_45 : i32
    %ne3A_47 = arith.constant 0 : i32
    %ne3A_48 = arith.cmpi ne, %rem3A_46, %ne3A_47 : i32
    %lt3A = arith.constant 0 : i32
    %lt3A_49 = arith.cmpi slt, %rem3A_46, %lt3A : i32
    %lt3A_50 = arith.constant 0 : i32
    %lt3A_51 = arith.cmpi slt, %select_n3A_45, %lt3A_50 : i32
    %ne3A_52 = arith.xori %lt3A_49, %lt3A_51 : i1
    %and3A_53 = arith.andi %ne3A_52, %ne3A_48 : i1
    %add3A_54 = arith.addi %rem3A_46, %select_n3A_45 : i32
    %select_n3A_55 = arith.select %and3A_53, %add3A_54, %rem3A_46 : i32
    %jit3A_56 = arith.constant 4 : i32
    %div3A_57 = arith.divsi %select_n3A_55, %jit3A_56 : i32
    %sign3A_58 = arith.constant 0 : i32
    %sign3A_59 = arith.cmpi sgt, %select_n3A_55, %sign3A_58 : i32
    %sign3A_60 = arith.extui %sign3A_59 : i1 to i32
    %sign3A_61 = arith.constant 0 : i32
    %sign3A_62 = arith.cmpi slt, %select_n3A_55, %sign3A_61 : i32
    %sign3A_63 = arith.extui %sign3A_62 : i1 to i32
    %sign3A_64 = arith.subi %sign3A_60, %sign3A_63 : i32
    %sign3A_65 = arith.constant 0 : i32
    %sign3A_66 = arith.cmpi sgt, %jit3A_56, %sign3A_65 : i32
    %sign3A_67 = arith.extui %sign3A_66 : i1 to i32
    %sign3A_68 = arith.constant 0 : i32
    %sign3A_69 = arith.cmpi slt, %jit3A_56, %sign3A_68 : i32
    %sign3A_70 = arith.extui %sign3A_69 : i1 to i32
    %sign3A_71 = arith.subi %sign3A_67, %sign3A_70 : i32
    %ne3A_72 = arith.cmpi ne, %sign3A_64, %sign3A_71 : i32
    %rem3A_73 = arith.remsi %select_n3A_55, %jit3A_56 : i32
    %ne3A_74 = arith.constant 0 : i32
    %ne3A_75 = arith.cmpi ne, %rem3A_73, %ne3A_74 : i32
    %and3A_76 = arith.andi %ne3A_72, %ne3A_75 : i1
    %sub3A_77 = arith.constant 1 : i32
    %sub3A_78 = arith.subi %div3A_57, %sub3A_77 : i32
    %select_n3A_79 = arith.select %and3A_76, %sub3A_78, %div3A_57 : i32
    %jit3A_80 = arith.constant 4 : i32
    %eq3A_81 = arith.constant 0 : i32
    %eq3A_82 = arith.cmpi eq, %jit3A_80, %eq3A_81 : i32
    %jit3A_83 = arith.constant 1 : i32
    %select_n3A_84 = arith.select %eq3A_82, %jit3A_83, %jit3A_80 : i32
    %rem3A_85 = arith.remsi %select_n3A_55, %select_n3A_84 : i32
    %ne3A_86 = arith.constant 0 : i32
    %ne3A_87 = arith.cmpi ne, %rem3A_85, %ne3A_86 : i32
    %lt3A_88 = arith.constant 0 : i32
    %lt3A_89 = arith.cmpi slt, %rem3A_85, %lt3A_88 : i32
    %lt3A_90 = arith.constant 0 : i32
    %lt3A_91 = arith.cmpi slt, %select_n3A_84, %lt3A_90 : i32
    %ne3A_92 = arith.xori %lt3A_89, %lt3A_91 : i1
    %and3A_93 = arith.andi %ne3A_92, %ne3A_87 : i1
    %add3A_94 = arith.addi %rem3A_85, %select_n3A_84 : i32
    %select_n3A_95 = arith.select %and3A_93, %add3A_94, %rem3A_85 : i32
    %mul3A_96 = arith.constant 128 : i32
    %mul3A_97 = arith.muli %select_n3A_79, %mul3A_96 : i32
    %mul3A_98 = arith.constant 8 : i32
    %mul3A_99 = arith.muli %select_n3A, %mul3A_98 : i32
    %mul3A_100 = arith.constant 2 : i32
    %mul3A_101 = arith.muli %select_n3A_95, %mul3A_100 : i32
    %add3A_102 = arith.addi %mul3A_99, %mul3A_101 : i32
    %dma_wait3A_103 = arith.constant 0 : i32
    %dma_wait3A_104 = tpu.memref_slice %arg5[%mul3A_97, %add3A_102, %dma_wait3A_103] : memref<4096x200x128xf32, #tpu.memory_space<hbm>> -> memref<128x2x64xf32, #tpu.memory_space<hbm>>
    %dma_wait3A_105 = arith.constant 0 : i32
    %dma_wait3A_106 = tpu.memref_slice %arg5[%mul3A_97, %add3A_102, %dma_wait3A_105] : memref<4096x200x128xf32, #tpu.memory_space<hbm>> -> memref<128x2x64xf32, #tpu.memory_space<hbm>>
    tpu.wait_dma2 semaphore(%arg17 : memref<!tpu.dma_semaphore, #tpu.memory_space<semaphore_mem>>) src(%arg10 : memref<128x2x64xf32, #tpu.memory_space<vmem>>) dst(%dma_wait3A_106 : memref<128x2x64xf32, #tpu.memory_space<hbm>>)
    %jit3A_107 = arith.constant 128 : i32
    %div3A_108 = arith.divsi %mul3A_2, %jit3A_107 : i32
    %sign3A_109 = arith.constant 0 : i32
    %sign3A_110 = arith.cmpi sgt, %mul3A_2, %sign3A_109 : i32
    %sign3A_111 = arith.extui %sign3A_110 : i1 to i32
    %sign3A_112 = arith.constant 0 : i32
    %sign3A_113 = arith.cmpi slt, %mul3A_2, %sign3A_112 : i32
    %sign3A_114 = arith.extui %sign3A_113 : i1 to i32
    %sign3A_115 = arith.subi %sign3A_111, %sign3A_114 : i32
    %sign3A_116 = arith.constant 0 : i32
    %sign3A_117 = arith.cmpi sgt, %jit3A_107, %sign3A_116 : i32
    %sign3A_118 = arith.extui %sign3A_117 : i1 to i32
    %sign3A_119 = arith.constant 0 : i32
    %sign3A_120 = arith.cmpi slt, %jit3A_107, %sign3A_119 : i32
    %sign3A_121 = arith.extui %sign3A_120 : i1 to i32
    %sign3A_122 = arith.subi %sign3A_118, %sign3A_121 : i32
    %ne3A_123 = arith.cmpi ne, %sign3A_115, %sign3A_122 : i32
    %rem3A_124 = arith.remsi %mul3A_2, %jit3A_107 : i32
    %ne3A_125 = arith.constant 0 : i32
    %ne3A_126 = arith.cmpi ne, %rem3A_124, %ne3A_125 : i32
    %and3A_127 = arith.andi %ne3A_123, %ne3A_126 : i1
    %sub3A_128 = arith.constant 1 : i32
    %sub3A_129 = arith.subi %div3A_108, %sub3A_128 : i32
    %select_n3A_130 = arith.select %and3A_127, %sub3A_129, %div3A_108 : i32
    %jit3A_131 = arith.constant 128 : i32
    %eq3A_132 = arith.constant 0 : i32
    %eq3A_133 = arith.cmpi eq, %jit3A_131, %eq3A_132 : i32
    %jit3A_134 = arith.constant 1 : i32
    %select_n3A_135 = arith.select %eq3A_133, %jit3A_134, %jit3A_131 : i32
    %rem3A_136 = arith.remsi %mul3A_2, %select_n3A_135 : i32
    %ne3A_137 = arith.constant 0 : i32
    %ne3A_138 = arith.cmpi ne, %rem3A_136, %ne3A_137 : i32
    %lt3A_139 = arith.constant 0 : i32
    %lt3A_140 = arith.cmpi slt, %rem3A_136, %lt3A_139 : i32
    %lt3A_141 = arith.constant 0 : i32
    %lt3A_142 = arith.cmpi slt, %select_n3A_135, %lt3A_141 : i32
    %ne3A_143 = arith.xori %lt3A_140, %lt3A_142 : i1
    %and3A_144 = arith.andi %ne3A_143, %ne3A_138 : i1
    %add3A_145 = arith.addi %rem3A_136, %select_n3A_135 : i32
    %select_n3A_146 = arith.select %and3A_144, %add3A_145, %rem3A_136 : i32
    %jit3A_147 = arith.constant 4 : i32
    %div3A_148 = arith.divsi %select_n3A_146, %jit3A_147 : i32
    %sign3A_149 = arith.constant 0 : i32
    %sign3A_150 = arith.cmpi sgt, %select_n3A_146, %sign3A_149 : i32
    %sign3A_151 = arith.extui %sign3A_150 : i1 to i32
    %sign3A_152 = arith.constant 0 : i32
    %sign3A_153 = arith.cmpi slt, %select_n3A_146, %sign3A_152 : i32
    %sign3A_154 = arith.extui %sign3A_153 : i1 to i32
    %sign3A_155 = arith.subi %sign3A_151, %sign3A_154 : i32
    %sign3A_156 = arith.constant 0 : i32
    %sign3A_157 = arith.cmpi sgt, %jit3A_147, %sign3A_156 : i32
    %sign3A_158 = arith.extui %sign3A_157 : i1 to i32
    %sign3A_159 = arith.constant 0 : i32
    %sign3A_160 = arith.cmpi slt, %jit3A_147, %sign3A_159 : i32
    %sign3A_161 = arith.extui %sign3A_160 : i1 to i32
    %sign3A_162 = arith.subi %sign3A_158, %sign3A_161 : i32
    %ne3A_163 = arith.cmpi ne, %sign3A_155, %sign3A_162 : i32
    %rem3A_164 = arith.remsi %select_n3A_146, %jit3A_147 : i32
    %ne3A_165 = arith.constant 0 : i32
    %ne3A_166 = arith.cmpi ne, %rem3A_164, %ne3A_165 : i32
    %and3A_167 = arith.andi %ne3A_163, %ne3A_166 : i1
    %sub3A_168 = arith.constant 1 : i32
    %sub3A_169 = arith.subi %div3A_148, %sub3A_168 : i32
    %select_n3A_170 = arith.select %and3A_167, %sub3A_169, %div3A_148 : i32
    %jit3A_171 = arith.constant 4 : i32
    %eq3A_172 = arith.constant 0 : i32
    %eq3A_173 = arith.cmpi eq, %jit3A_171, %eq3A_172 : i32
    %jit3A_174 = arith.constant 1 : i32
    %select_n3A_175 = arith.select %eq3A_173, %jit3A_174, %jit3A_171 : i32
    %rem3A_176 = arith.remsi %select_n3A_146, %select_n3A_175 : i32
    %ne3A_177 = arith.constant 0 : i32
    %ne3A_178 = arith.cmpi ne, %rem3A_176, %ne3A_177 : i32
    %lt3A_179 = arith.constant 0 : i32
    %lt3A_180 = arith.cmpi slt, %rem3A_176, %lt3A_179 : i32
    %lt3A_181 = arith.constant 0 : i32
    %lt3A_182 = arith.cmpi slt, %select_n3A_175, %lt3A_181 : i32
    %ne3A_183 = arith.xori %lt3A_180, %lt3A_182 : i1
    %and3A_184 = arith.andi %ne3A_183, %ne3A_178 : i1
    %add3A_185 = arith.addi %rem3A_176, %select_n3A_175 : i32
    %select_n3A_186 = arith.select %and3A_184, %add3A_185, %rem3A_176 : i32
    %mul3A_187 = arith.constant 128 : i32
    %mul3A_188 = arith.muli %select_n3A_170, %mul3A_187 : i32
    %mul3A_189 = arith.constant 8 : i32
    %mul3A_190 = arith.muli %select_n3A_130, %mul3A_189 : i32
    %mul3A_191 = arith.constant 2 : i32
    %mul3A_192 = arith.muli %select_n3A_186, %mul3A_191 : i32
    %add3A_193 = arith.addi %mul3A_190, %mul3A_192 : i32
    %dma_wait3A_194 = arith.constant 0 : i32
    %dma_wait3A_195 = tpu.memref_slice %arg5[%mul3A_188, %add3A_193, %dma_wait3A_194] : memref<4096x200x128xf32, #tpu.memory_space<hbm>> -> memref<128x2x64xf32, #tpu.memory_space<hbm>>
    %dma_wait3A_196 = arith.constant 0 : i32
    %dma_wait3A_197 = tpu.memref_slice %arg5[%mul3A_188, %add3A_193, %dma_wait3A_196] : memref<4096x200x128xf32, #tpu.memory_space<hbm>> -> memref<128x2x64xf32, #tpu.memory_space<hbm>>
    tpu.wait_dma2 semaphore(%arg18 : memref<!tpu.dma_semaphore, #tpu.memory_space<semaphore_mem>>) src(%arg11 : memref<128x2x64xf32, #tpu.memory_space<vmem>>) dst(%dma_wait3A_197 : memref<128x2x64xf32, #tpu.memory_space<hbm>>)
    return
  }
}

module attributes {stable_mosaic.version = 14 : i64} {
  func.func @body(%arg0: i32, %arg1: memref<64x2048xf32, #tpu.memory_space<vmem>>, %arg2: memref<64x2048xf32, #tpu.memory_space<vmem>>, %arg3: memref<2048x128xf32, #tpu.memory_space<vmem>>) attributes {dimension_semantics = [#tpu.dimension_semantics<arbitrary>], iteration_bounds = array<i64: 245>, scalar_prefetch = 0 : i64, scratch_operands = 0 : i64, tpu.core_type = #tpu.core_type<tc>, window_params = [{transform_indices = @transform_0, window_bounds = array<i64: 64, 2048>}, {transform_indices = @transform_1, window_bounds = array<i64: 64, 2048>}, {transform_indices = @transform_2, window_bounds = array<i64: 2048, 128>}]} {
    %get3A = arith.constant 0 : index
    %get3A_0 = arith.constant 0 : index
    %get3A_1 = vector.load %arg1[%get3A, %get3A_0] : memref<64x2048xf32, #tpu.memory_space<vmem>>, vector<64x2048xf32>
    %transpose3A = tpu.transpose %get3A_1, [1, 0] : vector<64x2048xf32> -> vector<2048x64xf32>
    %get3A_2 = arith.constant 0 : index
    %get3A_3 = arith.constant 0 : index
    %get3A_4 = vector.load %arg2[%get3A_2, %get3A_3] : memref<64x2048xf32, #tpu.memory_space<vmem>>, vector<64x2048xf32>
    %transpose3A_5 = tpu.transpose %get3A_4, [1, 0] : vector<64x2048xf32> -> vector<2048x64xf32>
    %concatenate3A = tpu.concatenate %transpose3A, %transpose3A_5 in 1 : vector<2048x64xf32>, vector<2048x64xf32> -> vector<2048x128xf32>
    %swap3A = arith.constant 0 : index
    %swap3A_6 = arith.constant 0 : index
    %swap3A_7 = vector.load %arg3[%swap3A, %swap3A_6] : memref<2048x128xf32, #tpu.memory_space<vmem>>, vector<2048x128xf32>
    tpu.vector_store %arg3[%swap3A, %swap3A_6], %concatenate3A {strides = array<i32>} : memref<2048x128xf32, #tpu.memory_space<vmem>>, vector<2048x128xf32>,
    return
  }
  func.func @transform_0(%arg0: i32) -> (i32, i32) {
    %mul3A = arith.constant 2 : i32
    %mul3A_0 = arith.muli %mul3A, %arg0 : i32
    %min3A = arith.constant 488 : i32
    %min3A_1 = arith.minsi %mul3A_0, %min3A : i32
    %c0_i32 = arith.constant 0 : i32
    %c0_i32_2 = arith.constant 0 : i32
    return %c0_i32, %min3A_1 : i32, i32
  }
  func.func @transform_1(%arg0: i32) -> (i32, i32) {
    %mul3A = arith.constant 2 : i32
    %mul3A_0 = arith.muli %mul3A, %arg0 : i32
    %add3A = arith.constant 1 : i32
    %add3A_1 = arith.addi %mul3A_0, %add3A : i32
    %min3A = arith.constant 488 : i32
    %min3A_2 = arith.minsi %add3A_1, %min3A : i32
    %c0_i32 = arith.constant 0 : i32
    %c0_i32_3 = arith.constant 0 : i32
    return %c0_i32, %min3A_2 : i32, i32
  }
  func.func @transform_2(%arg0: i32) -> (i32, i32) {
    %c0_i32 = arith.constant 0 : i32
    %c0_i32_0 = arith.constant 0 : i32
    return %arg0, %c0_i32 : i32, i32
  }
}

</mosaic_0001>

<sc_bundles>
// kernel: kernel.4.cloned.1.call-start
scs
__scs_entry_jumppad:
0x0: {  	(pc) =	sbr.rel $0x88, $3  }
0x1: {  	(tag) =	ssettag $0x0;
	lr =	simm.s32 $0x1  }
0x2: {  	[smem:$0x3F9E] =	sst lr;
	_ =	strace $0xD0000000  }
0x3: {  	_ = 	snop  }
0x4: {  	_ = 	snop  }
0x5: {  	_ = 	snop  }
0x6: {  	_ = 	snop  }
0x7: {  	_ = 	snop  }
__scs_overlays_trampoline_lowered:
0x8: {  	[smem:$0x3FAD] =	sst s0  }
0x9: {  	[smem:$0x3FAE] =	sst s1  }
0xa: {  	[smem:$0x3FAF] =	sst s2  }
0xb: {  	[smem:$0x3FB0] =	sst s3  }
0xc: {  	[smem:$0x3FB1] =	sst s4  }
0xd: {  	[smem:$0x3FB2] =	sst s5  }
0xe: {  	[smem:$0x3FB3] =	sst s6  }
0xf: {  	[smem:$0x3FB4] =	sst s7  }
0x10: {  	[smem:$0x3FB5] =	sst s8  }
0x11: {  	[smem:$0x3FB6] =	sst s9;
	s0 =	simm.s32 @!p0 $0x0  }
0x12: {  	s1 =	sld [smem:$0x3F9C];
	s0 =	simm.s32 @p0 $0x1  }
0x13: {  	[smem:$0x3FB7] =	sst s0;
	s0 =	simm.s32 @!p1 $0x0  }
0x14: {  	s2 =	sld [smem:$0x3F9B];
	s0 =	simm.s32 @p1 $0x1  }
0x15: {  	[smem:$0x3FB8] =	sst s0;
	s0 =	simm.s32 @!p2 $0x0  }
0x16: {  	s3 =	sld [smem:$0x3FDB];
	s0 =	simm.s32 @p2 $0x1  }
0x17: {  	s4 =	simm.s32 $0x1BF5;
	[smem:$0x3FBA] =	sst s0  }
0x18: {  	s0 =	sld [smem:$0x3F9D];
	_ =	swait.ge [sflag:s4], $0x0  }
0x19: {  	s7 =	sld [smem:$0x3F9E]  }
0x1a: {  	s8 =	sadd.s32 $0xFFFFE003, lr  }
0x1b: {  	s9 =	sadd.s32 $0xFFFFFEF7, lr;
	s5 =	simm.s32 $0xFFFFFFFF;
	p2 =	slt.u32 s8, $0xFFFFF086  }
0x1c: {  	p1 =	slt.u32 s9, $0xF7A;
	s5 =	simm.s32 @!p2 $0x0  }
0x1d: {  	s5 =	simm.s32 @p1 $0x1;
	p0 =	seq.s32 s7, s2  }
0x1e: {  	s7 =	smul.u32 @!p0 $0xF7A, s2;
	p2 =	seq.s32 @!p0 s5, $0x0  }
0x1f: {  	s9 =	smul.u32 $0xF7A, s1;
	s8 =	simm.s32 @!p0 $0x1BF5;
	p2 =	por !p2, p0  }
0x20: {  	[sflag:s8] =	ssyncset.s32 @!p0 $0xFFFFF086;
	s6 =	sadd.s32 @!p0 s3, s7;
	s7 =	simm.s32 @!p0 $0x108  }
0x21: {  	s3 =	sadd.s32 s3, s9;
	s6 =	sadd.s32 @!p0 $0x88, s6;
	s7 =	simm.s32 @p2 $0x1082  }
0x22: {  	[simem:s7], [sflag:s8] =	dma.local @!p0 [hbm:s6], $0xF7A  }
0x23: {  	s9 =	sor.u32 $0xD0000000, s2;
	s6 =	simm.s32 $0x108;
	_ =	swait.ge @!p0 [sflag:s8], $0x0  }
0x24: {  	s3 =	sadd.s32 $0x88, s3;
	s6 =	simm.s32 @!p1 $0x1082;
	[sflag:s4] =	ssyncset.s32 $0xFFFFF086  }
0x25: {  	[simem:s6], [sflag:s4] =	dma.local [hbm:s3], $0xF7A  }
0x26: {  	[smem:$0x3F9E] =	sst s1;
	(tag) =	ssettag s2;
	_ =	strace s9  }
0x27: {  	s1 =	sld [smem:$0x3FAE]  }
0x28: {  	s2 =	sld [smem:$0x3FAF]  }
0x29: {  	s4 =	sld [smem:$0x3FB1]  }
0x2a: {  	p0 =	seq.s32 s5, $0x0;
	s5 =	sld [smem:$0x3FB2]  }
0x2b: {  	s6 =	sld [smem:$0x3FB3]  }
0x2c: {  	s7 =	sld [smem:$0x3FB4]  }
0x2d: {  	s3 =	simm.s32 $0x108;
	s8 =	sld [smem:$0x3FB5]  }
0x2e: {  	s3 =	simm.s32 @!p0 $0x1082;
	s9 =	sld [smem:$0x3FB6]  }
0x2f: {  	lr =	sadd.s32 s0, s3;
	s0 =	sld [smem:$0x3FAD]  }
0x30: {  	s3 =	sld [smem:$0x3FB0]  }
0x31: {  	[smem:$0x3FB9] =	sst s10  }
0x32: {  	s10 =	sld [smem:$0x3FB7];
	_ =	sdelay $0x3  }
0x33: {  	p0 =	seq.s32 s10, $0x1;
	s10 =	sld [smem:$0x3FB9];
	_ =	sdelay $0x3  }
0x34: {  	[smem:$0x3FB9] =	sst s10  }
0x35: {  	s10 =	sld [smem:$0x3FB8];
	_ =	sdelay $0x3  }
0x36: {  	p1 =	seq.s32 s10, $0x1;
	s10 =	sld [smem:$0x3FB9];
	_ =	sdelay $0x3  }
0x37: {  	[smem:$0x3FB9] =	sst s10  }
0x38: {  	s10 =	sld [smem:$0x3FBA]  }
0x39: {  	_ = 	snop;
	(pc) =	sbr.ind lr, $3  }
0x3a: {  	_ = 	snop  }
0x3b: {  	_ = 	snop  }
0x3c: {  	p2 =	seq.s32 s10, $0x1;
	s10 =	sld [smem:$0x3FB9]  }
0x3d: {  	_ =	shalt  }
0x3e: {  	_ =	shalt  }
0x3f: {  	_ =	shalt  }
0x40: {  	_ =	shalt  }
0x41: {  	_ =	shalt  }
0x42: {  	_ =	shalt  }
0x43: {  	_ =	shalt  }
0x44: {  	_ =	shalt  }
0x45: {  	_ =	shalt  }
0x46: {  	_ =	shalt  }
0x47: {  	_ =	shalt  }
0x48: {  	_ =	shalt  }
0x49: {  	_ =	shalt  }
0x4a: {  	_ =	shalt  }
0x4b: {  	_ =	shalt  }
0x4c: {  	_ =	shalt  }
0x4d: {  	_ =	shalt  }
0x4e: {  	_ =	shalt  }
0x4f: {  	_ =	shalt  }
0x50: {  	_ =	shalt  }
0x51: {  	_ =	shalt  }
0x52: {  	_ =	shalt  }
0x53: {  	_ =	shalt  }
0x54: {  	_ =	shalt  }
0x55: {  	_ =	shalt  }
0x56: {  	_ =	shalt  }
0x57: {  	_ =	shalt  }
0x58: {  	_ =	shalt  }
0x59: {  	_ =	shalt  }
0x5a: {  	_ =	shalt  }
0x5b: {  	_ =	shalt  }
0x5c: {  	_ =	shalt  }
0x5d: {  	_ =	shalt  }
0x5e: {  	_ =	shalt  }
0x5f: {  	_ =	shalt  }
0x60: {  	_ =	shalt  }
0x61: {  	_ =	shalt  }
0x62: {  	_ =	shalt  }
0x63: {  	_ =	shalt  }
0x64: {  	_ =	shalt  }
0x65: {  	_ =	shalt  }
0x66: {  	_ =	shalt  }
0x67: {  	_ =	shalt  }
0x68: {  	_ =	shalt  }
0x69: {  	_ =	shalt  }
0x6a: {  	_ =	shalt  }
0x6b: {  	_ =	shalt  }
0x6c: {  	_ =	shalt  }
0x6d: {  	_ =	shalt  }
0x6e: {  	_ =	shalt  }
0x6f: {  	_ =	shalt  }
0x70: {  	_ =	shalt  }
0x71: {  	_ =	shalt  }
0x72: {  	_ =	shalt  }
0x73: {  	_ =	shalt  }
0x74: {  	_ =	shalt  }
0x75: {  	_ =	shalt  }
0x76: {  	_ =	shalt  }
0x77: {  	_ =	shalt  }
0x78: {  	_ =	shalt  }
0x79: {  	_ =	shalt  }
0x7a: {  	_ =	shalt  }
0x7b: {  	_ =	shalt  }
0x7c: {  	_ =	shalt  }
0x7d: {  	_ =	shalt  }
0x7e: {  	_ =	shalt  }
0x7f: {  	_ =	shalt  }
0x80: {  	_ =	shalt  }
0x81: {  	_ =	shalt  }
0x82: {  	_ =	shalt  }
0x83: {  	_ =	shalt  }
0x84: {  	_ =	shalt  }
0x85: {  	_ =	shalt  }
0x86: {  	_ =	shalt  }
0x87: {  	_ =	shalt  }
.Lfunc_end0:
.L_simem_size_0:
called_computation.1_lowered:
.L_overlay_start_0:
0x88: {  	s2 =	sld [smem:$0x3FD9]  }
0x89: {  	s3 =	sld [smem:$0x3FFE];
	_ =	sdelay $0x1  }
0x8a: {  	s1 =	srdreg.scid  }
0x8b: {  	s0 =	sand.u32 $0x1, s1  }
0x8c: {  	s17 =	sshll.u32 s0, $0xA;
	s2 =	sadd.s32 s3, s2  }
0x8d: {  	s2 =	sadd.s32 s2, s17  }
0x8e: {  	[smem:$0x3FC5] =	sst s2  }
0x8f: {  	_ = 	snop  }
0x90: {  	s2 =	sld [smem:$0x3FD0];
	(tm) =	ssettm $0x1  }
0x91: {  	s18 =	sld [smem:$0x3FFB];
	_ =	sdelay $0x3  }
0x92: {  	_ =	strace s18  }
0x93: {  	s3 =	sld [smem:$0x3FFC];
	_ =	sdelay $0x3  }
0x94: {  	_ =	strace s3  }
0x95: {  	s3 =	sld [smem:$0x3FFD];
	_ =	sdelay $0x3  }
0x96: {  	_ =	strace s3  }
0x97: {  	_ =	strace $0x8FFFFFFF  }
0x98: {  	s19 =	sld [smem:$0x3FDB];
	_ =	sdelay $0x1  }
0x99: {  	s4 =	simm.s32 $_scs_section_size  }
0x9a: {  	s5 =	simm.s32 $_size__tile_overlayer_lowered;
	s6 =	simm.s32 $_tile_overlayer_lowered  }
0x9b: {  	s22 =	simm.s32 $0x1BFF;
	s21 =	sshll.u32 s6, $0x1;
	s3 =	sadd.s32 s4, s19  }
0x9c: {  	s7 =	simm.s32 $0x0;
	s20 =	sshll.u32 s5, $0x1;
	s5 =	sadd.s32 s21, s3  }
0x9d: {  	[timem:s7], [sflag:s22] =	dma.local [hbm:s5], s20  }
0x9e: {  	_ =	swait.ge [sflag:s22], s20  }
0x9f: {  	s4 =	ssub.s32 $0x0, s20;
	[sflag:s22] =	ssyncset.done $0x0  }
0xa0: {  	[sflag:s22] =	ssyncadd.s32 s4;
	_ =	sdelay $0x1  }
0xa1: {  	s23 =	simm.s32 $0x1B8B  }
0xa2: {  	_ =	swait.ge [sflag:s23], $0x1  }
0xa3: {  	[sflag:s23] =	ssyncset.done $0x0  }
0xa4: {  	s25 =	simm.s32 $0x1B8E;
	s24 =	sld [smem:$0x3FFE];
	[sflag:s23] =	ssyncadd.s32 $0xFFFFFFFF  }
0xa5: {  	s26 =	simm.s32 $execute0_lowered;
	[smem:$0x3FD2] =	sst s25  }
0xa6: {  	s5 =	sshll.u32 s26, $0x1;
	_ =	strace $0x80000046;
	[dreg:$0x1] =	wrdreg $0xFFFFFFFF  }
0xa7: {  	s28 =	simm.s32 $_size_execute0_lowered;
	s3 =	sadd.s32 s3, s5;
	[dreg:$0x0] =	wrdreg $0x0  }
0xa8: {  	s5 =	sshll.u32 s28, $0x1;
	[dreg:$0x2] =	wrdreg s3  }
0xa9: {  	[dreg:$0x3] =	wrdreg s5  }
0xaa: {  	[dreg:$0x4] =	wrdreg $0xC0  }
0xab: {  	_ =	task [dreg:s7], $0x5FFFF  }
0xac: {  	[dreg:$0x1] =	wrdreg $0xFFFFFFFF  }
0xad: {  	[dreg:$0x0] =	wrdreg $0x60  }
0xae: {  	[dreg:$0x2] =	wrdreg s2  }
0xaf: {  	[dreg:$0x3] =	wrdreg s24  }
0xb0: {  	[dreg:$0x4] =	wrdreg $0x9  }
0xb1: {  	_ =	task.clear_ibuf [dreg:s7], $0x5FFFF;
	_ =	strace $0x90000046  }
0xb2: {  	s29 =	simm.s32 $0x9;
	_ =	strace $0x80000048  }
0xb3: {  	_ =	swait.ge [sflag:s29], $0x1  }
0xb4: {  	[sflag:s29] =	ssyncadd.s32 $0xFFFFFFFF  }
0xb5: {  	_ =	strace $0x90000048  }
0xb6: {  	_ =	sfence  }
0xb7: {  	s30 =	sld [smem:$0x0];
	_ =	sdelay $0x2  }
0xb8: {  	s31 =	sshll.u32 s1, $0xD;
	s1 =	sshrl.u32 s1, $0x2  }
0xb9: {  	s3 =	sand.u32 $0x4000, s31;
	s1 =	sadd.s32 s1, s30  }
0xba: {  	s0 =	sor.u32 s3, s0;
	s1 =	sshll.u32 s1, $0x11  }
0xbb: {  	s0 =	sor.u32 s1, s0  }
0xbc: {  	s0 =	sadd.s32 $0x8F2B, s0  }
0xbd: {  	[sflag:s0] =	ssyncadd.remote.s32 $0x1  }
0xbe: {  	_ =	sfence.sel $0xFFFF  }
0xbf: {  	[dreg:$0x0] =	wrdreg $0xFFFFFFFF;
	(pc) =	sbr.abs _section_cstart, $3  }
0xc0: {  	[dreg:$0x1] =	wrdreg $0xFFFFFFFF  }
0xc1: {  	_ =	task.clear_ibuf [dreg:s7], $0x2FFFF;
	_ =	strace $0x9FFFFFFF  }
0xc2: {  	(tm) =	ssettm $0x7FFFFFFF  }
0xc3: {  	_ =	shalt  }
tec
execute0_lowered:
.L_overlay_start_1:
0x0: {  	(tag) =	ssettag $0x1  }
0x1: {  	s1 =	rddreg [dreg:$0x0]  }
0x2: {  	s0 =	rddreg [dreg:$0x1];
	s3 =	simm.s32 $0x0  }
0x3: {  	s2 =	srdreg.scid;
	s4 =	stileid.u32;
	s15 =	simm.s32 $0x100  }
0x4: {  	s16 =	simm.s32 $0x1;
	s17 =	simm.s32 $0x200;
	s18 =	simm.s32 $0x2  }
0x5: {  	s19 =	simm.s32 $0x4200;
	s20 =	simm.s32 $0x3;
	s21 =	simm.s32 $0x40  }
0x6: {  	s22 =	simm.s32 $0x80;
	s23 =	simm.s32 $0x4;
	s24 =	simm.s32 $0x6  }
0x7: {  	s25 =	simm.s32 $0x5;
	s2 =	sand.u32 $0x1, s2;
	s4 =	sshll.u32 s4, $0x1  }
0x8: {  	[smem:$0x7FF] =	sst s3;
	s5 =	sadd.s32 $0x800, s0;
	s4 =	sor.u32 s2, s4  }
0x9: {  	s7 =	sadd.s32 $0x7A9000, s0;
	s2 =	ssub.s32 $0x2, s2;
	s8 =	smul.u32 $0xC80, s4  }
0xa: {  	_ =	strace $0x80000047;
	[dreg:$0x3] =	wrdreg s5;
	s9 =	sshrl.u32 s2, $0x1  }
0xb: {  	s5 =	sadd.s32 $0x1000, s0;
	s30 =	ssub.s32 s2, s9;
	s31 =	sadd.s32 s1, s8  }
0xc: {  	s6 =	smul.u32 $0x64, s4;
	s0 =	smax.u32 s30, $0x1;
	[dreg:$0x4] =	wrdreg s31  }
0xd: {  	s26 =	simm.s32 $0x0;
	s2 =	sadd.s32 $0x20, s31;
	[dreg:$0x6] =	wrdreg s0  }
0xe: {  	s10 =	sor.u32 $0x2, s6;
	s11 =	sor.u32 $0x3, s6;
	[dreg:$0x5] =	wrdreg s2  }
.LBB2_1:
0xf: {  	s0 =	rddreg [dreg:$0x3];
	s2 =	simm.s32 $0x10200;
	s29 =	simm.s32 $0x7  }
0x10: {  	[tilespmem:s2], [sflag:$0x7] =	stream.linear.gather [hbm4b:s0+s3], $0x3200, $0x38;
	[tilespmem:$0x13400] =	vst v63  }
0x11: {  	_ =	swait.ge [sflag:s29], $0x3200  }
0x12: {  	[sflag:s29] =	ssyncset.done $0x0  }
0x13: {  	s30 =	rddreg [dreg:$0x4];
	[sflag:s29] =	ssyncadd.s32 $0xFFFFCE00  }
0x14: {  	[tilespmem:s3], [sflag:$0x1] =	stream.linear.gather [hbm4b:s30+s3], $0x100, $0x38;
	[tilespmem:$0x13400] =	vst v63  }
0x15: {  	s31 =	rddreg [dreg:$0x5]  }
0x16: {  	[tilespmem:s15], [sflag:$0x2] =	stream.linear.gather [hbm4b:s31+s3], $0x100, $0x38;
	[tilespmem:$0x13400] =	vst v63  }
0x17: {  	_ =	swait.ge [sflag:s16], $0x100  }
0x18: {  	[sflag:s16] =	ssyncset.done $0x0  }
0x19: {  	s28 =	simm.s32 $0x0;
	[sflag:s16] =	ssyncadd.s32 $0xFFFFFF00  }
0x1a: {  	[tilespmem:s17], [sflag:$0x3] =	stream.indirect.gather [hbm4b:s5+s15], $0x40, s3, s15, $0xb8;
	[tilespmem:$0x13400] =	vst v63  }
.LBB2_2:
0x1b: {  	_ =	swait.ge [sflag:s18], $0x100;
	p0 =	seq.s32 s28, $0x31  }
0x1c: {  	[sflag:s18] =	ssyncset.done $0x0;
	p1 =	seq.s32 @!p0 s28, $0x0  }
0x1d: {  	s29 =	sshll.u32 s28, $0x1;
	[sflag:s18] =	ssyncadd.s32 $0xFFFFFF00;
	p1 =	por p0, !p1  }
0x1e: {  	[tilespmem:s19], [sflag:$0x4] =	stream.indirect.gather [hbm4b:s5+s15], $0x40, s15, s15, $0xb8;
	[tilespmem:$0x13400] =	vst v63  }
.Ltmp0:
0x1f: {  	s0 =	sadd.s32 @!p0 s29, s10;
	(pc) =	sbr.rel @!p1 .LBB2_3-.Ltmp0, $4  }
0x20: {  	s0 =	sshll.u32 @!p0 s0, $0x5;
	_ =	swait.ge [sflag:s20], $0x4000  }
0x21: {  	s0 =	sand.u32 @!p0 $0x1FFFFFC0, s0;
	[sflag:s20] =	ssyncset.done $0x0  }
0x22: {  	s2 =	simm.s32 @!p0 $0x0;
	s0 =	sadd.s32 @!p0 s1, s0;
	[sflag:s20] =	ssyncadd.s32 $0xFFFFC000  }
0x23: {  	[tilespmem:s2], [sflag:$0x1] =	stream.linear.gather @!p0 [hbm4b:s0+s2], $0x100, $0x38;
	[tilespmem:$0x13400] =	vst v63  }
.Ltmp1:
0x24: {  	(pc) =	sbr.rel .LBB2_5-.Ltmp1, $4  }
0x25: {  	_ = 	snop  }
0x26: {  	_ =	swait.ge [sflag:s25], $0x4000  }
0x27: {  	[sflag:s25] =	ssyncset.done $0x0  }
0x28: {  	p0 =	por $0x0, $0x0;
	[sflag:s25] =	ssyncadd.s32 $0xFFFFC000  }
.LBB2_3:
0x29: {  	p0 =	por @!p0 $0x1, $0x1  }
.LBB2_5:
0x2a: {  	s31 =	sadd.s32 s6, s29  }
0x2b: {  	s2 =	sshll.u32 s28, $0x2;
	s0 =	sshrl.u32 s31, $0x4  }
0x2c: {  	s12 =	simm.s32 $0x2200;
	s14 =	sand.u32 $0x4, s2;
	s30 =	sand.u32 $0x7FFFFF8, s0  }
0x2d: {  	v0 =	vld [tilespmem:s12+$0xFFFFE0C0];
	s0 =	sor.u32 s14, s30  }
0x2e: {  	v8 =	vld [tilespmem:s12+$0xFFFFE040];
	s0 =	sshll.u32 s0, $0x8  }
0x2f: {  	v10 =	vld [tilespmem:s12+$0xFFFFE000];
	s0 =	sshra.s32 s0, $0x2  }
0x30: {  	v5 =	vld [tilespmem:s0+$0x10200]  }
0x31: {  	v6 =	vld [tilespmem:s0+$0x10210]  }
0x32: {  	v7 =	vld [tilespmem:s0+$0x10220]  }
0x33: {  	v4 =	vld [tilespmem:s0+$0x10230]  }
0x34: {  	v3 =	vld [tilespmem:s0+$0x10240];
	v9 =	vmul.f32 $8.000000000e+00, v0  }
0x35: {  	v2 =	vld [tilespmem:s0+$0x10250];
	v8 =	vmul.f32 $8.000000000e+00, v8  }
0x36: {  	v1 =	vld [tilespmem:s0+$0x10260];
	v9 =	vadd.f32 v9, v5  }
0x37: {  	v0 =	vld [tilespmem:s0+$0x10270];
	s0 =	simm.s32 $0x8300;
	v8 =	vadd.f32 v8, v5  }
0x38: {  	v11 =	vld [tilespmem:s12+$0xFFFFE080];
	[tilespmem:s0+$0x80] =	vst v9  }
0x39: {  	[tilespmem:s0+$0xFFFFFF80] =	vst v8;
	v8 =	vld [tilespmem:s12+$0xFFFFE0D0]  }
0x3a: {  	v9 =	vld [tilespmem:s12+$0xFFFFE050];
	_ =	sdelay $0x1  }
0x3b: {  	v10 =	vmul.f32 $8.000000000e+00, v10  }
0x3c: {  	v11 =	vmul.f32 $8.000000000e+00, v11  }
0x3d: {  	v10 =	vadd.f32 v10, v5;
	v8 =	vmul.f32 $8.000000000e+00, v8  }
0x3e: {  	v11 =	vadd.f32 v11, v5;
	v9 =	vmul.f32 $8.000000000e+00, v9  }
0x3f: {  	[tilespmem:s0+$0xFFFFFF00] =	vst v10;
	v8 =	vadd.f32 v8, v6  }
0x40: {  	[tilespmem:s0+$0x0] =	vst v11;
	v10 =	vld [tilespmem:s12+$0xFFFFE010];
	v9 =	vadd.f32 v9, v6  }
0x41: {  	v11 =	vld [tilespmem:s12+$0xFFFFE090];
	[tilespmem:s0+$0x90] =	vst v8  }
0x42: {  	[tilespmem:s0+$0xFFFFFF90] =	vst v9;
	v8 =	vld [tilespmem:s12+$0xFFFFE0E0]  }
0x43: {  	v9 =	vld [tilespmem:s12+$0xFFFFE060];
	_ =	sdelay $0x1  }
0x44: {  	v10 =	vmul.f32 $8.000000000e+00, v10  }
0x45: {  	v11 =	vmul.f32 $8.000000000e+00, v11  }
0x46: {  	v10 =	vadd.f32 v10, v6;
	v8 =	vmul.f32 $8.000000000e+00, v8  }
0x47: {  	v11 =	vadd.f32 v11, v6;
	v9 =	vmul.f32 $8.000000000e+00, v9  }
0x48: {  	[tilespmem:s0+$0xFFFFFF10] =	vst v10;
	v8 =	vadd.f32 v8, v7  }
0x49: {  	[tilespmem:s0+$0x10] =	vst v11;
	v10 =	vld [tilespmem:s12+$0xFFFFE020];
	v9 =	vadd.f32 v9, v7  }
0x4a: {  	v11 =	vld [tilespmem:s12+$0xFFFFE0A0];
	[tilespmem:s0+$0xA0] =	vst v8  }
0x4b: {  	[tilespmem:s0+$0xFFFFFFA0] =	vst v9;
	v8 =	vld [tilespmem:s12+$0xFFFFE0F0]  }
0x4c: {  	s13 =	simm.s32 $0x2300;
	v9 =	vld [tilespmem:s12+$0xFFFFE070]  }
0x4d: {  	v12 =	vld [tilespmem:s13+$0xFFFFE0C0]  }
0x4e: {  	v13 =	vld [tilespmem:s13+$0xFFFFE040];
	v10 =	vmul.f32 $8.000000000e+00, v10  }
0x4f: {  	v11 =	vmul.f32 $8.000000000e+00, v11  }
0x50: {  	v10 =	vadd.f32 v10, v7;
	v8 =	vmul.f32 $8.000000000e+00, v8  }
0x51: {  	v14 =	vld [tilespmem:s13+$0xFFFFE080];
	v11 =	vadd.f32 v11, v7;
	v9 =	vmul.f32 $8.000000000e+00, v9  }
0x52: {  	v12 =	vmul.f32 $8.000000000e+00, v12;
	[tilespmem:s0+$0xFFFFFF20] =	vst v10;
	v10 =	vld [tilespmem:s13+$0xFFFFE000];
	v8 =	vadd.f32 v8, v4  }
0x53: {  	v13 =	vmul.f32 $8.000000000e+00, v13;
	[tilespmem:s0+$0x20] =	vst v11;
	v11 =	vld [tilespmem:s12+$0xFFFFE030];
	v9 =	vadd.f32 v9, v4  }
0x54: {  	v12 =	vadd.f32 v12, v5;
	v15 =	vld [tilespmem:s12+$0xFFFFE0B0];
	[tilespmem:s0+$0xB0] =	vst v8  }
0x55: {  	s2 =	simm.s32 $0x8500;
	v8 =	vadd.f32 v13, v5;
	[tilespmem:s0+$0xFFFFFFB0] =	vst v9;
	v9 =	vld [tilespmem:s12+$0xC0]  }
0x56: {  	[tilespmem:s2+$0x80] =	vst v12;
	v13 =	vmul.f32 $8.000000000e+00, v14;
	v12 =	vld [tilespmem:s12+$0x40]  }
0x57: {  	v10 =	vmul.f32 $8.000000000e+00, v10;
	[tilespmem:s2+$0xFFFFFF80] =	vst v8;
	v8 =	vld [tilespmem:s13+$0xFFFFE0D0]  }
0x58: {  	v11 =	vmul.f32 $8.000000000e+00, v11;
	v13 =	vadd.f32 v13, v5;
	v14 =	vld [tilespmem:s13+$0xFFFFE050]  }
0x59: {  	v15 =	vmul.f32 $8.000000000e+00, v15;
	v10 =	vadd.f32 v10, v5  }
0x5a: {  	v11 =	vadd.f32 v11, v4;
	[tilespmem:s2+$0x0] =	vst v13;
	v9 =	vmul.f32 $8.000000000e+00, v9  }
0x5b: {  	[tilespmem:s2+$0xFFFFFF00] =	vst v10;
	v13 =	vadd.f32 v15, v4;
	v10 =	vld [tilespmem:s13+$0xFFFFE090];
	v12 =	vmul.f32 $8.000000000e+00, v12  }
0x5c: {  	[tilespmem:s0+$0xFFFFFF30] =	vst v11;
	v15 =	vld [tilespmem:s13+$0xFFFFE010];
	v8 =	vmul.f32 $8.000000000e+00, v8;
	v9 =	vadd.f32 v9, v3  }
0x5d: {  	v11 =	vld [tilespmem:s12+$0x0];
	[tilespmem:s0+$0x30] =	vst v13;
	v13 =	vmul.f32 $8.000000000e+00, v14;
	v12 =	vadd.f32 v12, v3  }
0x5e: {  	v14 =	vld [tilespmem:s12+$0x80];
	v8 =	vadd.f32 v8, v6;
	[tilespmem:s0+$0xC0] =	vst v9  }
0x5f: {  	v9 =	vadd.f32 v13, v6;
	[tilespmem:s0+$0xFFFFFFC0] =	vst v12;
	v12 =	vld [tilespmem:s12+$0xD0]  }
0x60: {  	v10 =	vmul.f32 $8.000000000e+00, v10;
	[tilespmem:s2+$0x90] =	vst v8;
	v8 =	vld [tilespmem:s12+$0x50]  }
0x61: {  	v13 =	vmul.f32 $8.000000000e+00, v15;
	[tilespmem:s2+$0xFFFFFF90] =	vst v9;
	v9 =	vld [tilespmem:s13+$0xFFFFE0E0]  }
0x62: {  	v11 =	vmul.f32 $8.000000000e+00, v11;
	v10 =	vadd.f32 v10, v6;
	v15 =	vld [tilespmem:s13+$0xFFFFE060]  }
0x63: {  	v13 =	vadd.f32 v13, v6;
	v14 =	vmul.f32 $8.000000000e+00, v14  }
0x64: {  	[tilespmem:s2+$0x10] =	vst v10;
	v10 =	vadd.f32 v11, v3;
	v11 =	vmul.f32 $8.000000000e+00, v12  }
0x65: {  	[tilespmem:s2+$0xFFFFFF10] =	vst v13;
	v13 =	vadd.f32 v14, v3;
	v12 =	vld [tilespmem:s13+$0xFFFFE0A0];
	v8 =	vmul.f32 $8.000000000e+00, v8  }
0x66: {  	v14 =	vld [tilespmem:s13+$0xFFFFE020];
	[tilespmem:s0+$0xFFFFFF40] =	vst v10;
	v9 =	vmul.f32 $8.000000000e+00, v9;
	v10 =	vadd.f32 v11, v2  }
0x67: {  	[tilespmem:s0+$0x40] =	vst v13;
	v11 =	vld [tilespmem:s12+$0x10];
	v13 =	vmul.f32 $8.000000000e+00, v15;
	v8 =	vadd.f32 v8, v2  }
0x68: {  	v15 =	vld [tilespmem:s12+$0x90];
	v9 =	vadd.f32 v9, v7;
	[tilespmem:s0+$0xD0] =	vst v10  }
0x69: {  	v10 =	vadd.f32 v13, v7;
	[tilespmem:s0+$0xFFFFFFD0] =	vst v8;
	v8 =	vld [tilespmem:s12+$0xE0]  }
0x6a: {  	v12 =	vmul.f32 $8.000000000e+00, v12;
	[tilespmem:s2+$0xA0] =	vst v9;
	v9 =	vld [tilespmem:s12+$0x60]  }
0x6b: {  	v13 =	vmul.f32 $8.000000000e+00, v14;
	[tilespmem:s2+$0xFFFFFFA0] =	vst v10;
	v10 =	vld [tilespmem:s13+$0xFFFFE0F0]  }
0x6c: {  	s4 =	simm.s32 $0x2400;
	v12 =	vadd.f32 v12, v7;
	v11 =	vmul.f32 $8.000000000e+00, v11;
	v14 =	vld [tilespmem:s13+$0xFFFFE070]  }
0x6d: {  	v16 =	vld [tilespmem:s4+$0xFFFFE0C0];
	v13 =	vadd.f32 v13, v7;
	v15 =	vmul.f32 $8.000000000e+00, v15  }
0x6e: {  	[tilespmem:s2+$0x20] =	vst v12;
	v11 =	vadd.f32 v11, v2;
	v12 =	vld [tilespmem:s4+$0xFFFFE040];
	v8 =	vmul.f32 $8.000000000e+00, v8  }
0x6f: {  	[tilespmem:s2+$0xFFFFFF20] =	vst v13;
	v13 =	vadd.f32 v15, v2;
	v15 =	vld [tilespmem:s4+$0xFFFFE080];
	v9 =	vmul.f32 $8.000000000e+00, v9  }
0x70: {  	[tilespmem:s0+$0xFFFFFF50] =	vst v11;
	v11 =	vld [tilespmem:s4+$0xFFFFE000];
	v10 =	vmul.f32 $8.000000000e+00, v10;
	v8 =	vadd.f32 v8, v1  }
0x71: {  	[tilespmem:s0+$0x50] =	vst v13;
	v13 =	vld [tilespmem:s13+$0xFFFFE030];
	v14 =	vmul.f32 $8.000000000e+00, v14;
	v9 =	vadd.f32 v9, v1  }
0x72: {  	v16 =	vmul.f32 $8.000000000e+00, v16;
	v17 =	vld [tilespmem:s13+$0xFFFFE0B0];
	v10 =	vadd.f32 v10, v4;
	[tilespmem:s0+$0xE0] =	vst v8  }
0x73: {  	v8 =	vmul.f32 $8.000000000e+00, v12;
	v12 =	vadd.f32 v14, v4;
	[tilespmem:s0+$0xFFFFFFE0] =	vst v9;
	v9 =	vld [tilespmem:s12+$0xF0]  }
0x74: {  	v14 =	vmul.f32 $8.000000000e+00, v15;
	v15 =	vadd.f32 v16, v5;
	[tilespmem:s2+$0xB0] =	vst v10;
	v10 =	vld [tilespmem:s12+$0x20]  }
0x75: {  	s9 =	simm.s32 $0x8700;
	v11 =	vmul.f32 $8.000000000e+00, v11;
	v8 =	vadd.f32 v8, v5;
	[tilespmem:s2+$0xFFFFFFB0] =	vst v12;
	v12 =	vld [tilespmem:s13+$0xC0]  }
0x76: {  	v14 =	vadd.f32 v14, v5;
	[tilespmem:s9+$0x80] =	vst v15;
	v13 =	vmul.f32 $8.000000000e+00, v13;
	v15 =	vld [tilespmem:s13+$0x40]  }
0x77: {  	v16 =	vmul.f32 $8.000000000e+00, v17;
	v11 =	vadd.f32 v11, v5;
	[tilespmem:s9+$0xFFFFFF80] =	vst v8;
	v8 =	vld [tilespmem:s4+$0xFFFFE0D0]  }
0x78: {  	[tilespmem:s9+$0x0] =	vst v14;
	v13 =	vadd.f32 v13, v4;
	v17 =	vld [tilespmem:s4+$0xFFFFE050];
	v9 =	vmul.f32 $8.000000000e+00, v9  }
0x79: {  	v14 =	vadd.f32 v16, v4;
	[tilespmem:s9+$0xFFFFFF00] =	vst v11;
	v11 =	vld [tilespmem:s4+$0xFFFFE090];
	v10 =	vmul.f32 $8.000000000e+00, v10  }
0x7a: {  	[tilespmem:s2+$0xFFFFFF30] =	vst v13;
	v16 =	vld [tilespmem:s4+$0xFFFFE010];
	v12 =	vmul.f32 $8.000000000e+00, v12;
	v9 =	vadd.f32 v9, v0  }
0x7b: {  	[tilespmem:s2+$0x30] =	vst v14;
	v13 =	vld [tilespmem:s13+$0x0];
	v15 =	vmul.f32 $8.000000000e+00, v15;
	v10 =	vadd.f32 v10, v1  }
0x7c: {  	v14 =	vld [tilespmem:s13+$0x80];
	v8 =	vmul.f32 $8.000000000e+00, v8;
	v12 =	vadd.f32 v12, v3;
	[tilespmem:s0+$0xF0] =	vst v9  }
0x7d: {  	v9 =	vmul.f32 $8.000000000e+00, v17;
	v15 =	vadd.f32 v15, v3;
	[tilespmem:s0+$0xFFFFFF60] =	vst v10;
	v10 =	vld [tilespmem:s12+$0xA0]  }
0x7e: {  	v11 =	vmul.f32 $8.000000000e+00, v11;
	v8 =	vadd.f32 v8, v6;
	[tilespmem:s2+$0xC0] =	vst v12;
	v12 =	vld [tilespmem:s12+$0x30]  }
0x7f: {  	v16 =	vmul.f32 $8.000000000e+00, v16;
	v9 =	vadd.f32 v9, v6;
	[tilespmem:s2+$0xFFFFFFC0] =	vst v15;
	v15 =	vld [tilespmem:s13+$0xD0]  }
0x80: {  	v11 =	vadd.f32 v11, v6;
	[tilespmem:s9+$0x90] =	vst v8;
	v8 =	vmul.f32 $8.000000000e+00, v13;
	v13 =	vld [tilespmem:s13+$0x50]  }
0x81: {  	v14 =	vmul.f32 $8.000000000e+00, v14;
	v16 =	vadd.f32 v16, v6;
	[tilespmem:s9+$0xFFFFFF90] =	vst v9;
	v9 =	vld [tilespmem:s4+$0xFFFFE0E0]  }
0x82: {  	v17 =	vld [tilespmem:s4+$0xFFFFE060];
	[tilespmem:s9+$0x10] =	vst v11;
	v8 =	vadd.f32 v8, v3;
	v10 =	vmul.f32 $8.000000000e+00, v10  }
0x83: {  	v14 =	vadd.f32 v14, v3;
	[tilespmem:s9+$0xFFFFFF10] =	vst v16;
	v11 =	vld [tilespmem:s4+$0xFFFFE0A0];
	v12 =	vmul.f32 $8.000000000e+00, v12  }
0x84: {  	v16 =	vld [tilespmem:s4+$0xFFFFE020];
	[tilespmem:s2+$0xFFFFFF40] =	vst v8;
	v8 =	vmul.f32 $8.000000000e+00, v15;
	v10 =	vadd.f32 v10, v1  }
0x85: {  	[tilespmem:s2+$0x40] =	vst v14;
	v15 =	vld [tilespmem:s13+$0x10];
	v13 =	vmul.f32 $8.000000000e+00, v13;
	v12 =	vadd.f32 v12, v0  }
0x86: {  	v18 =	vld [tilespmem:s13+$0x90];
	v9 =	vmul.f32 $8.000000000e+00, v9;
	v8 =	vadd.f32 v8, v2;
	[tilespmem:s0+$0x60] =	vst v10  }
0x87: {  	v10 =	vmul.f32 $8.000000000e+00, v17;
	v13 =	vadd.f32 v13, v2;
	[tilespmem:s0+$0xFFFFFF70] =	vst v12;
	v17 =	vld [tilespmem:s12+$0x70]  }
0x88: {  	v12 =	vmul.f32 $8.000000000e+00, v11;
	v9 =	vadd.f32 v9, v7;
	[tilespmem:s2+$0xD0] =	vst v8;
	v8 =	vld [tilespmem:s12+$0xB0]  }
0x89: {  	v14 =	vmul.f32 $8.000000000e+00, v16;
	v19 =	vadd.f32 v10, v7;
	[tilespmem:s2+$0xFFFFFFD0] =	vst v13;
	v11 =	vld [tilespmem:s13+$0xE0]  }
0x8a: {  	v13 =	vadd.f32 v12, v7;
	[tilespmem:s9+$0xA0] =	vst v9;
	v9 =	vmul.f32 $8.000000000e+00, v15;
	v10 =	vld [tilespmem:s13+$0x60]  }
0x8b: {  	v12 =	vmul.f32 $8.000000000e+00, v18;
	v16 =	vadd.f32 v14, v7;
	[tilespmem:s9+$0xFFFFFFA0] =	vst v19;
	v14 =	vld [tilespmem:s4+$0xFFFFE0F0]  }
0x8c: {  	s8 =	simm.s32 $0x8;
	s14 =	simm.s32 $0x2500;
	s12 =	sshllo.u32 s28, $0x1;
	v15 =	vld [tilespmem:s4+$0xFFFFE070];
	[tilespmem:s9+$0x20] =	vst v13;
	v13 =	vadd.f32 v9, v2;
	v9 =	vmul.f32 $8.000000000e+00, v17  }
.LBB2_6:
0x8d: {  	v17 =	vld [tilespmem:s14+$0xFFFFE0C0];
	s8 =	sadd.s32 $0x4, s8;
	[tilespmem:s9+$0xFFFFFF20] =	vst v16;
	v12 =	vadd.f32 v12, v2;
	v8 =	vmul.f32 $8.000000000e+00, v8  }
0x8e: {  	v16 =	vld [tilespmem:s14+$0xFFFFE040];
	p1 =	slt.u32 s8, $0x7C;
	[tilespmem:s2+$0xFFFFFF50] =	vst v13;
	v11 =	vmul.f32 $8.000000000e+00, v11;
	v9 =	vadd.f32 v9, v0  }
0x8f: {  	v13 =	vld [tilespmem:s14+$0xFFFFE080];
	v10 =	vmul.f32 $8.000000000e+00, v10;
	[tilespmem:s2+$0x50] =	vst v12;
	v8 =	vadd.f32 v8, v0  }
0x90: {  	v12 =	vld [tilespmem:s14+$0xFFFFE000];
	v14 =	vmul.f32 $8.000000000e+00, v14;
	v11 =	vadd.f32 v11, v1;
	[tilespmem:s0+$0xFFFFFFF0] =	vst v9  }
0x91: {  	v9 =	vld [tilespmem:s4+$0xFFFFE030];
	v15 =	vmul.f32 $8.000000000e+00, v15;
	v10 =	vadd.f32 v10, v1;
	[tilespmem:s0+$0x70] =	vst v8;
	s0 =	smov.u32 s2;
	s2 =	smov.u32 s9  }
0x92: {  	v8 =	vmul.f32 $8.000000000e+00, v17;
	v17 =	vld [tilespmem:s4+$0xFFFFE0B0];
	v14 =	vadd.f32 v14, v4;
	[tilespmem:s0+$0xE0] =	vst v11  }
0x93: {  	v11 =	vmul.f32 $8.000000000e+00, v16;
	v15 =	vadd.f32 v15, v4;
	[tilespmem:s0+$0xFFFFFFE0] =	vst v10;
	v10 =	vld [tilespmem:s13+$0xF0]  }
0x94: {  	v13 =	vmul.f32 $8.000000000e+00, v13;
	v8 =	vadd.f32 v8, v5;
	[tilespmem:s9+$0xB0] =	vst v14;
	v14 =	vld [tilespmem:s13+$0x20]  }
0x95: {  	s9 =	sadd.s32 $0x200, s9;
	v12 =	vmul.f32 $8.000000000e+00, v12;
	v11 =	vadd.f32 v11, v5;
	[tilespmem:s2+$0xFFFFFFB0] =	vst v15;
	v15 =	vld [tilespmem:s4+$0xC0]  }
0x96: {  	v13 =	vadd.f32 v13, v5;
	[tilespmem:s9+$0x80] =	vst v8;
	v8 =	vmul.f32 $8.000000000e+00, v9;
	v9 =	vld [tilespmem:s4+$0x40]  }
0x97: {  	v12 =	vadd.f32 v12, v5;
	[tilespmem:s9+$0xFFFFFF80] =	vst v11;
	v11 =	vld [tilespmem:s14+$0xFFFFE0D0];
	v16 =	vmul.f32 $8.000000000e+00, v17  }
0x98: {  	v17 =	vld [tilespmem:s14+$0xFFFFE050];
	[tilespmem:s9+$0x0] =	vst v13;
	v8 =	vadd.f32 v8, v4;
	v10 =	vmul.f32 $8.000000000e+00, v10  }
0x99: {  	[tilespmem:s9+$0xFFFFFF00] =	vst v12;
	v12 =	vld [tilespmem:s14+$0xFFFFE090];
	v13 =	vadd.f32 v16, v4;
	v14 =	vmul.f32 $8.000000000e+00, v14  }
0x9a: {  	v16 =	vld [tilespmem:s14+$0xFFFFE010];
	[tilespmem:s2+$0xFFFFFF30] =	vst v8;
	v8 =	vmul.f32 $8.000000000e+00, v15;
	v10 =	vadd.f32 v10, v0  }
0x9b: {  	v15 =	vld [tilespmem:s4+$0x0];
	v9 =	vmul.f32 $8.000000000e+00, v9;
	[tilespmem:s2+$0x30] =	vst v13;
	v13 =	vadd.f32 v14, v1  }
0x9c: {  	v11 =	vmul.f32 $8.000000000e+00, v11;
	v14 =	vld [tilespmem:s4+$0x80];
	v8 =	vadd.f32 v8, v3;
	[tilespmem:s0+$0xF0] =	vst v10  }
0x9d: {  	v10 =	vmul.f32 $8.000000000e+00, v17;
	v9 =	vadd.f32 v9, v3;
	[tilespmem:s0+$0xFFFFFF60] =	vst v13;
	v13 =	vld [tilespmem:s13+$0xA0]  }
0x9e: {  	v12 =	vmul.f32 $8.000000000e+00, v12;
	v11 =	vadd.f32 v11, v6;
	[tilespmem:s2+$0xC0] =	vst v8;
	v8 =	vld [tilespmem:s13+$0x30]  }
0x9f: {  	v16 =	vmul.f32 $8.000000000e+00, v16;
	v10 =	vadd.f32 v10, v6;
	[tilespmem:s2+$0xFFFFFFC0] =	vst v9;
	v9 =	vld [tilespmem:s4+$0xD0]  }
0xa0: {  	v12 =	vadd.f32 v12, v6;
	[tilespmem:s9+$0x90] =	vst v11;
	v11 =	vmul.f32 $8.000000000e+00, v15;
	v15 =	vld [tilespmem:s4+$0x50]  }
0xa1: {  	v16 =	vadd.f32 v16, v6;
	[tilespmem:s9+$0xFFFFFF90] =	vst v10;
	v10 =	vld [tilespmem:s14+$0xFFFFE0E0];
	v14 =	vmul.f32 $8.000000000e+00, v14  }
0xa2: {  	v17 =	vld [tilespmem:s14+$0xFFFFE060];
	[tilespmem:s9+$0x10] =	vst v12;
	v11 =	vadd.f32 v11, v3;
	v12 =	vmul.f32 $8.000000000e+00, v13  }
0xa3: {  	[tilespmem:s9+$0xFFFFFF10] =	vst v16;
	v13 =	vld [tilespmem:s14+$0xFFFFE0A0];
	v14 =	vadd.f32 v14, v3;
	v8 =	vmul.f32 $8.000000000e+00, v8  }
0xa4: {  	v16 =	vld [tilespmem:s14+$0xFFFFE020];
	[tilespmem:s2+$0xFFFFFF40] =	vst v11;
	v9 =	vmul.f32 $8.000000000e+00, v9;
	v11 =	vadd.f32 v12, v1  }
0xa5: {  	v12 =	vld [tilespmem:s4+$0x10];
	v15 =	vmul.f32 $8.000000000e+00, v15;
	[tilespmem:s2+$0x40] =	vst v14;
	v8 =	vadd.f32 v8, v0  }
0xa6: {  	v10 =	vmul.f32 $8.000000000e+00, v10;
	v18 =	vld [tilespmem:s4+$0x90];
	v9 =	vadd.f32 v9, v2;
	[tilespmem:s0+$0x60] =	vst v11  }
0xa7: {  	v11 =	vmul.f32 $8.000000000e+00, v17;
	v14 =	vadd.f32 v15, v2;
	[tilespmem:s0+$0xFFFFFF70] =	vst v8;
	v17 =	vld [tilespmem:s13+$0x70]  }
.Ltmp2:
0xa8: {  	v13 =	vmul.f32 $8.000000000e+00, v13;
	v10 =	vadd.f32 v10, v7;
	[tilespmem:s2+$0xD0] =	vst v9;
	v8 =	vld [tilespmem:s13+$0xB0];
	s13 =	smov.u32 s4;
	s4 =	smov.u32 s14;
	(pc) =	sbr.rel @p1 .LBB2_6-.Ltmp2, $4  }
0xa9: {  	v9 =	vmul.f32 $8.000000000e+00, v16;
	v15 =	vadd.f32 v11, v7;
	[tilespmem:s2+$0xFFFFFFD0] =	vst v14;
	v11 =	vld [tilespmem:s13+$0xE0]  }
0xaa: {  	v13 =	vadd.f32 v13, v7;
	[tilespmem:s9+$0xA0] =	vst v10;
	v19 =	vmul.f32 $8.000000000e+00, v12;
	v10 =	vld [tilespmem:s13+$0x60]  }
0xab: {  	v16 =	vadd.f32 v9, v7;
	[tilespmem:s9+$0xFFFFFFA0] =	vst v15;
	v14 =	vld [tilespmem:s14+$0xFFFFE0F0];
	v12 =	vmul.f32 $8.000000000e+00, v18  }
0xac: {  	s14 =	sadd.s32 $0x100, s14;
	v15 =	vld [tilespmem:s4+$0xFFFFE070];
	[tilespmem:s9+$0x20] =	vst v13;
	v13 =	vadd.f32 v19, v2;
	v9 =	vmul.f32 $8.000000000e+00, v17  }
0xad: {  	[tilespmem:s9+$0xFFFFFF20] =	vst v16;
	v6 =	vld [tilespmem:s4+$0xFFFFE0B0]  }
0xae: {  	v5 =	vld [tilespmem:s4+$0xFFFFE030];
	_ =	sdelay $0x1  }
0xaf: {  	v7 =	vmul.f32 $8.000000000e+00, v14  }
0xb0: {  	v25 =	vmul.f32 $8.000000000e+00, v15  }
0xb1: {  	v7 =	vadd.f32 v7, v4;
	v6 =	vmul.f32 $8.000000000e+00, v6  }
0xb2: {  	v5 =	vmul.f32 $8.000000000e+00, v5;
	v26 =	vadd.f32 v25, v4  }
0xb3: {  	[tilespmem:s9+$0xB0] =	vst v7;
	v27 =	vadd.f32 v6, v4  }
0xb4: {  	v5 =	vadd.f32 v5, v4;
	v28 =	vld [tilespmem:s4+$0xC0];
	[tilespmem:s9+$0xFFFFFFB0] =	vst v26  }
0xb5: {  	v7 =	vld [tilespmem:s4+$0x40];
	[tilespmem:s9+$0x30] =	vst v27  }
0xb6: {  	[tilespmem:s9+$0xFFFFFF30] =	vst v5;
	v4 =	vld [tilespmem:s4+$0x80]  }
0xb7: {  	v5 =	vld [tilespmem:s4+$0x0];
	_ =	sdelay $0x1  }
0xb8: {  	v6 =	vmul.f32 $8.000000000e+00, v28  }
0xb9: {  	v7 =	vmul.f32 $8.000000000e+00, v7  }
0xba: {  	v6 =	vadd.f32 v6, v3;
	v4 =	vmul.f32 $8.000000000e+00, v4  }
0xbb: {  	v5 =	vmul.f32 $8.000000000e+00, v5;
	v7 =	vadd.f32 v7, v3  }
0xbc: {  	[tilespmem:s9+$0xC0] =	vst v6;
	v29 =	vadd.f32 v4, v3  }
0xbd: {  	v5 =	vadd.f32 v5, v3;
	v6 =	vld [tilespmem:s4+$0xD0];
	[tilespmem:s9+$0xFFFFFFC0] =	vst v7  }
0xbe: {  	v31 =	vld [tilespmem:s4+$0x50];
	[tilespmem:s9+$0x40] =	vst v29  }
0xbf: {  	v32 =	vadd.f32 v12, v2;
	[tilespmem:s9+$0xFFFFFF40] =	vst v5;
	v3 =	vld [tilespmem:s4+$0x90]  }
0xc0: {  	v30 =	vld [tilespmem:s4+$0x10]  }
0xc1: {  	[tilespmem:s2+$0x50] =	vst v32  }
0xc2: {  	v7 =	vld [tilespmem:s13+$0xA0];
	v6 =	vmul.f32 $8.000000000e+00, v6  }
0xc3: {  	v5 =	vmul.f32 $8.000000000e+00, v31  }
0xc4: {  	[tilespmem:s2+$0xFFFFFF50] =	vst v13;
	v6 =	vadd.f32 v6, v2;
	v3 =	vmul.f32 $8.000000000e+00, v3  }
0xc5: {  	v33 =	vld [tilespmem:s13+$0x20];
	v4 =	vmul.f32 $8.000000000e+00, v30;
	v5 =	vadd.f32 v5, v2  }
0xc6: {  	[tilespmem:s9+$0xD0] =	vst v6;
	v34 =	vadd.f32 v3, v2  }
0xc7: {  	v7 =	vmul.f32 $8.000000000e+00, v7;
	v4 =	vadd.f32 v4, v2;
	v6 =	vld [tilespmem:s4+$0xE0];
	[tilespmem:s9+$0xFFFFFFD0] =	vst v5  }
0xc8: {  	v37 =	vld [tilespmem:s4+$0x60];
	[tilespmem:s9+$0x50] =	vst v34  }
0xc9: {  	v35 =	vmul.f32 $8.000000000e+00, v11;
	v42 =	vadd.f32 v7, v1;
	[tilespmem:s9+$0xFFFFFF50] =	vst v4;
	v39 =	vld [tilespmem:s4+$0xA0]  }
0xca: {  	v36 =	vmul.f32 $8.000000000e+00, v33;
	v4 =	vld [tilespmem:s4+$0x20]  }
0xcb: {  	v38 =	vmul.f32 $8.000000000e+00, v10;
	v3 =	vadd.f32 v35, v1;
	[tilespmem:s2+$0x60] =	vst v42  }
0xcc: {  	v5 =	vadd.f32 v36, v1;
	v46 =	vld [tilespmem:s13+$0xB0];
	v40 =	vmul.f32 $8.000000000e+00, v6  }
0xcd: {  	v2 =	vadd.f32 v38, v1;
	[tilespmem:s2+$0xE0] =	vst v3;
	v44 =	vmul.f32 $8.000000000e+00, v37  }
0xce: {  	v41 =	vld [tilespmem:s13+$0xF0];
	[tilespmem:s2+$0xFFFFFF60] =	vst v5;
	v3 =	vadd.f32 v40, v1;
	v10 =	vmul.f32 $8.000000000e+00, v39  }
0xcf: {  	[tilespmem:s2+$0xFFFFFFE0] =	vst v2;
	v43 =	vld [tilespmem:s13+$0x30];
	v4 =	vmul.f32 $8.000000000e+00, v4;
	v7 =	vadd.f32 v44, v1  }
0xd0: {  	v45 =	vld [tilespmem:s13+$0x70];
	[tilespmem:s9+$0xE0] =	vst v3;
	v49 =	vadd.f32 v10, v1  }
0xd1: {  	v55 =	vmul.f32 $8.000000000e+00, v46;
	v4 =	vadd.f32 v4, v1;
	v48 =	vld [tilespmem:s4+$0xF0];
	[tilespmem:s9+$0xFFFFFFE0] =	vst v7  }
0xd2: {  	v47 =	vmul.f32 $8.000000000e+00, v8;
	v50 =	vadd.f32 v9, v0;
	[tilespmem:s9+$0x60] =	vst v49;
	v52 =	vld [tilespmem:s4+$0x70]  }
0xd3: {  	v6 =	vmul.f32 $8.000000000e+00, v41;
	v58 =	vadd.f32 v55, v0;
	[tilespmem:s9+$0xFFFFFF60] =	vst v4;
	v54 =	vld [tilespmem:s4+$0xB0]  }
0xd4: {  	[tilespmem:s0+$0xFFFFFFF0] =	vst v50;
	v2 =	vmul.f32 $8.000000000e+00, v43;
	v3 =	vadd.f32 v47, v0;
	v51 =	vld [tilespmem:s4+$0x30]  }
0xd5: {  	v5 =	vmul.f32 $8.000000000e+00, v45;
	v53 =	vadd.f32 v6, v0;
	[tilespmem:s2+$0x70] =	vst v58  }
0xd6: {  	v2 =	vadd.f32 v2, v0;
	[tilespmem:s0+$0x70] =	vst v3;
	v57 =	vmul.f32 $8.000000000e+00, v48  }
0xd7: {  	s14 =	sshll.u32 s31, $0x1;
	s13 =	sshll.u32 s31, $0x5;
	v56 =	vadd.f32 v5, v0;
	[tilespmem:s2+$0xF0] =	vst v53;
	v1 =	vmul.f32 $8.000000000e+00, v52  }
0xd8: {  	s0 =	sand.u32 $0xF80, s13;
	[tilespmem:s2+$0xFFFFFF70] =	vst v2;
	s4 =	sand.u32 $0x4, s14;
	v60 =	vadd.f32 v57, v0;
	v62 =	vmul.f32 $8.000000000e+00, v54  }
0xd9: {  	[tilespmem:s2+$0xFFFFFFF0] =	vst v56;
	s0 =	smul.u32 $0x6400, s0;
	s30 =	sor.u32 s30, s4;
	v59 =	vmul.f32 $8.000000000e+00, v51;
	v1 =	vadd.f32 v1, v0  }
0xda: {  	s2 =	sshll.u32 s30, $0x7;
	[tilespmem:s9+$0xF0] =	vst v60;
	v63 =	vadd.f32 v62, v0  }
0xdb: {  	s0 =	sadd.s32 s0, s2;
	v61 =	vadd.f32 v59, v0;
	[tilespmem:s9+$0xFFFFFFF0] =	vst v1  }
0xdc: {  	s0 =	sshrl.u32 s0, $0x3;
	[tilespmem:s9+$0x70] =	vst v63  }
0xdd: {  	s31 =	simm.s32 $0x8200;
	s2 =	simm.s32 $0x200;
	s0 =	sadd.s32 s7, s0;
	[tilespmem:s9+$0xFFFFFF70] =	vst v61  }
0xde: {  	[hbm4b:s0+s21] =	stream.strided.scatter [tilespmem:s31], [sflag:$0x5], $0x80, s22, s21, $0x38;
	[tilespmem:$0x13400] =	vst v63  }
.LBB2_8:
0xdf: {  	p1 =	sne.s32 s2, $0xFE00  }
.Ltmp3:
0xe0: {  	_ = 	snop;
	(pc) =	sbr.rel @p1 .LBB2_8-.Ltmp3, $4  }
0xe1: {  	_ = 	snop  }
0xe2: {  	s4 =	sshra.s32 s2, $0x2;
	s2 =	sadd.s32 $0x200, s2  }
0xe3: {  	s0 =	sadd.s32 $0xC80, s0;
	s4 =	sadd.s32 $0x8200, s4  }
0xe4: {  	[hbm4b:s0+s21] =	stream.strided.scatter [tilespmem:s4], [sflag:$0x5], $0x80, s22, s21, $0x38;
	[tilespmem:$0x13400] =	vst v63  }
0xe5: {  	p1 =	sne.s32 s28, $0x31  }
.Ltmp4:
0xe6: {  	_ = 	snop;
	(pc) =	sbr.rel @p1 .LBB2_11-.Ltmp4, $1  }
0xe7: {  	_ =	sdelay $0x3  }
.Ltmp5:
0xe8: {  	(pc) =	sbr.rel .LBB2_12-.Ltmp5, $4  }
0xe9: {  	_ = 	snop  }
0xea: {  	_ =	swait.ge [sflag:s23], $0x4000  }
0xeb: {  	[sflag:s23] =	ssyncset.done $0x0  }
0xec: {  	[sflag:s23] =	ssyncadd.s32 $0xFFFFC000  }
.LBB2_11:
0xed: {  	_ =	swait.ge [sflag:s16], $0x100  }
0xee: {  	[sflag:s16] =	ssyncset.done $0x0  }
0xef: {  	[sflag:s16] =	ssyncadd.s32 $0xFFFFFF00  }
0xf0: {  	[tilespmem:s17], [sflag:$0x3] =	stream.indirect.gather [hbm4b:s5+s15], $0x40, s3, s15, $0xb8;
	[tilespmem:$0x13400] =	vst v63  }
.Ltmp6:
0xf1: {  	s0 =	sadd.s32 s29, s11;
	(pc) =	sbr.rel @p0 .LBB2_13-.Ltmp6, $4  }
0xf2: {  	s0 =	sshll.u32 s0, $0x5;
	_ =	swait.ge [sflag:s23], $0x4000  }
0xf3: {  	s0 =	sand.u32 $0x1FFFFFE0, s0;
	[sflag:s23] =	ssyncset.done $0x0  }
0xf4: {  	s0 =	sadd.s32 s1, s0;
	[sflag:s23] =	ssyncadd.s32 $0xFFFFC000  }
0xf5: {  	[tilespmem:s15], [sflag:$0x2] =	stream.linear.gather [hbm4b:s0+s3], $0x100, $0x38;
	[tilespmem:$0x13400] =	vst v63  }
.LBB2_12:
0xf6: {  	_ =	swait.ge [sflag:s24], $0x4000  }
0xf7: {  	[sflag:s24] =	ssyncset.done $0x0  }
0xf8: {  	[sflag:s24] =	ssyncadd.s32 $0xFFFFC000  }
.LBB2_13:
0xf9: {  	s30 =	sadd.s32 s6, s12  }
0xfa: {  	s2 =	sshll.u32 s12, $0x1;
	s0 =	sshrl.u32 s30, $0x4  }
0xfb: {  	s31 =	simm.s32 $0x6200;
	s2 =	sand.u32 $0x6, s2;
	s0 =	sand.u32 $0x7FFFFF8, s0  }
0xfc: {  	v0 =	vld [tilespmem:s31+$0xFFFFE0C0];
	s29 =	sor.u32 s2, s0  }
0xfd: {  	v8 =	vld [tilespmem:s31+$0xFFFFE040];
	s0 =	sshll.u32 s29, $0x8  }
0xfe: {  	v10 =	vld [tilespmem:s31+$0xFFFFE000];
	s0 =	sshra.s32 s0, $0x2  }
0xff: {  	v5 =	vld [tilespmem:s0+$0x10200]  }
0x100: {  	v6 =	vld [tilespmem:s0+$0x10210]  }
0x101: {  	v7 =	vld [tilespmem:s0+$0x10220]  }
0x102: {  	v4 =	vld [tilespmem:s0+$0x10230]  }
0x103: {  	v3 =	vld [tilespmem:s0+$0x10240];
	v9 =	vmul.f32 $8.000000000e+00, v0  }
0x104: {  	v2 =	vld [tilespmem:s0+$0x10250];
	v8 =	vmul.f32 $8.000000000e+00, v8  }
0x105: {  	v1 =	vld [tilespmem:s0+$0x10260];
	v9 =	vadd.f32 v9, v5  }
0x106: {  	v0 =	vld [tilespmem:s0+$0x10270];
	s0 =	simm.s32 $0xC300;
	v8 =	vadd.f32 v8, v5  }
0x107: {  	v11 =	vld [tilespmem:s31+$0xFFFFE080];
	[tilespmem:s0+$0x80] =	vst v9  }
0x108: {  	[tilespmem:s0+$0xFFFFFF80] =	vst v8;
	v8 =	vld [tilespmem:s31+$0xFFFFE0D0]  }
0x109: {  	v9 =	vld [tilespmem:s31+$0xFFFFE050];
	_ =	sdelay $0x1  }
0x10a: {  	v10 =	vmul.f32 $8.000000000e+00, v10  }
0x10b: {  	v11 =	vmul.f32 $8.000000000e+00, v11  }
0x10c: {  	v10 =	vadd.f32 v10, v5;
	v8 =	vmul.f32 $8.000000000e+00, v8  }
0x10d: {  	v11 =	vadd.f32 v11, v5;
	v9 =	vmul.f32 $8.000000000e+00, v9  }
0x10e: {  	[tilespmem:s0+$0xFFFFFF00] =	vst v10;
	v8 =	vadd.f32 v8, v6  }
0x10f: {  	[tilespmem:s0+$0x0] =	vst v11;
	v10 =	vld [tilespmem:s31+$0xFFFFE010];
	v9 =	vadd.f32 v9, v6  }
0x110: {  	v11 =	vld [tilespmem:s31+$0xFFFFE090];
	[tilespmem:s0+$0x90] =	vst v8  }
0x111: {  	[tilespmem:s0+$0xFFFFFF90] =	vst v9;
	v8 =	vld [tilespmem:s31+$0xFFFFE0E0]  }
0x112: {  	v9 =	vld [tilespmem:s31+$0xFFFFE060];
	_ =	sdelay $0x1  }
0x113: {  	v10 =	vmul.f32 $8.000000000e+00, v10  }
0x114: {  	v11 =	vmul.f32 $8.000000000e+00, v11  }
0x115: {  	v10 =	vadd.f32 v10, v6;
	v8 =	vmul.f32 $8.000000000e+00, v8  }
0x116: {  	v11 =	vadd.f32 v11, v6;
	v9 =	vmul.f32 $8.000000000e+00, v9  }
0x117: {  	[tilespmem:s0+$0xFFFFFF10] =	vst v10;
	v8 =	vadd.f32 v8, v7  }
0x118: {  	[tilespmem:s0+$0x10] =	vst v11;
	v10 =	vld [tilespmem:s31+$0xFFFFE020];
	v9 =	vadd.f32 v9, v7  }
0x119: {  	v11 =	vld [tilespmem:s31+$0xFFFFE0A0];
	[tilespmem:s0+$0xA0] =	vst v8  }
0x11a: {  	[tilespmem:s0+$0xFFFFFFA0] =	vst v9;
	v8 =	vld [tilespmem:s31+$0xFFFFE0F0]  }
0x11b: {  	s13 =	simm.s32 $0x6300;
	v9 =	vld [tilespmem:s31+$0xFFFFE070]  }
0x11c: {  	v12 =	vld [tilespmem:s13+$0xFFFFE0C0]  }
0x11d: {  	v13 =	vld [tilespmem:s13+$0xFFFFE040];
	v10 =	vmul.f32 $8.000000000e+00, v10  }
0x11e: {  	v11 =	vmul.f32 $8.000000000e+00, v11  }
0x11f: {  	v10 =	vadd.f32 v10, v7;
	v8 =	vmul.f32 $8.000000000e+00, v8  }
0x120: {  	v14 =	vld [tilespmem:s13+$0xFFFFE080];
	v11 =	vadd.f32 v11, v7;
	v9 =	vmul.f32 $8.000000000e+00, v9  }
0x121: {  	v12 =	vmul.f32 $8.000000000e+00, v12;
	[tilespmem:s0+$0xFFFFFF20] =	vst v10;
	v10 =	vld [tilespmem:s13+$0xFFFFE000];
	v8 =	vadd.f32 v8, v4  }
0x122: {  	v13 =	vmul.f32 $8.000000000e+00, v13;
	[tilespmem:s0+$0x20] =	vst v11;
	v11 =	vld [tilespmem:s31+$0xFFFFE030];
	v9 =	vadd.f32 v9, v4  }
0x123: {  	v12 =	vadd.f32 v12, v5;
	v15 =	vld [tilespmem:s31+$0xFFFFE0B0];
	[tilespmem:s0+$0xB0] =	vst v8  }
0x124: {  	s2 =	simm.s32 $0xC500;
	v8 =	vadd.f32 v13, v5;
	[tilespmem:s0+$0xFFFFFFB0] =	vst v9;
	v9 =	vld [tilespmem:s31+$0xC0]  }
0x125: {  	[tilespmem:s2+$0x80] =	vst v12;
	v13 =	vmul.f32 $8.000000000e+00, v14;
	v12 =	vld [tilespmem:s31+$0x40]  }
0x126: {  	v10 =	vmul.f32 $8.000000000e+00, v10;
	[tilespmem:s2+$0xFFFFFF80] =	vst v8;
	v8 =	vld [tilespmem:s13+$0xFFFFE0D0]  }
0x127: {  	v11 =	vmul.f32 $8.000000000e+00, v11;
	v13 =	vadd.f32 v13, v5;
	v14 =	vld [tilespmem:s13+$0xFFFFE050]  }
0x128: {  	v15 =	vmul.f32 $8.000000000e+00, v15;
	v10 =	vadd.f32 v10, v5  }
0x129: {  	v11 =	vadd.f32 v11, v4;
	[tilespmem:s2+$0x0] =	vst v13;
	v9 =	vmul.f32 $8.000000000e+00, v9  }
0x12a: {  	[tilespmem:s2+$0xFFFFFF00] =	vst v10;
	v13 =	vadd.f32 v15, v4;
	v10 =	vld [tilespmem:s13+$0xFFFFE090];
	v12 =	vmul.f32 $8.000000000e+00, v12  }
0x12b: {  	[tilespmem:s0+$0xFFFFFF30] =	vst v11;
	v15 =	vld [tilespmem:s13+$0xFFFFE010];
	v8 =	vmul.f32 $8.000000000e+00, v8;
	v9 =	vadd.f32 v9, v3  }
0x12c: {  	v11 =	vld [tilespmem:s31+$0x0];
	[tilespmem:s0+$0x30] =	vst v13;
	v13 =	vmul.f32 $8.000000000e+00, v14;
	v12 =	vadd.f32 v12, v3  }
0x12d: {  	v14 =	vld [tilespmem:s31+$0x80];
	v8 =	vadd.f32 v8, v6;
	[tilespmem:s0+$0xC0] =	vst v9  }
0x12e: {  	v9 =	vadd.f32 v13, v6;
	[tilespmem:s0+$0xFFFFFFC0] =	vst v12;
	v12 =	vld [tilespmem:s31+$0xD0]  }
0x12f: {  	v10 =	vmul.f32 $8.000000000e+00, v10;
	[tilespmem:s2+$0x90] =	vst v8;
	v8 =	vld [tilespmem:s31+$0x50]  }
0x130: {  	v13 =	vmul.f32 $8.000000000e+00, v15;
	[tilespmem:s2+$0xFFFFFF90] =	vst v9;
	v9 =	vld [tilespmem:s13+$0xFFFFE0E0]  }
0x131: {  	v11 =	vmul.f32 $8.000000000e+00, v11;
	v10 =	vadd.f32 v10, v6;
	v15 =	vld [tilespmem:s13+$0xFFFFE060]  }
0x132: {  	v13 =	vadd.f32 v13, v6;
	v14 =	vmul.f32 $8.000000000e+00, v14  }
0x133: {  	[tilespmem:s2+$0x10] =	vst v10;
	v10 =	vadd.f32 v11, v3;
	v11 =	vmul.f32 $8.000000000e+00, v12  }
0x134: {  	[tilespmem:s2+$0xFFFFFF10] =	vst v13;
	v13 =	vadd.f32 v14, v3;
	v12 =	vld [tilespmem:s13+$0xFFFFE0A0];
	v8 =	vmul.f32 $8.000000000e+00, v8  }
0x135: {  	v14 =	vld [tilespmem:s13+$0xFFFFE020];
	[tilespmem:s0+$0xFFFFFF40] =	vst v10;
	v9 =	vmul.f32 $8.000000000e+00, v9;
	v10 =	vadd.f32 v11, v2  }
0x136: {  	[tilespmem:s0+$0x40] =	vst v13;
	v11 =	vld [tilespmem:s31+$0x10];
	v13 =	vmul.f32 $8.000000000e+00, v15;
	v8 =	vadd.f32 v8, v2  }
0x137: {  	v15 =	vld [tilespmem:s31+$0x90];
	v9 =	vadd.f32 v9, v7;
	[tilespmem:s0+$0xD0] =	vst v10  }
0x138: {  	v10 =	vadd.f32 v13, v7;
	[tilespmem:s0+$0xFFFFFFD0] =	vst v8;
	v8 =	vld [tilespmem:s31+$0xE0]  }
0x139: {  	v12 =	vmul.f32 $8.000000000e+00, v12;
	[tilespmem:s2+$0xA0] =	vst v9;
	v9 =	vld [tilespmem:s31+$0x60]  }
0x13a: {  	v13 =	vmul.f32 $8.000000000e+00, v14;
	[tilespmem:s2+$0xFFFFFFA0] =	vst v10;
	v10 =	vld [tilespmem:s13+$0xFFFFE0F0]  }
0x13b: {  	s4 =	simm.s32 $0x6400;
	v12 =	vadd.f32 v12, v7;
	v11 =	vmul.f32 $8.000000000e+00, v11;
	v14 =	vld [tilespmem:s13+$0xFFFFE070]  }
0x13c: {  	v16 =	vld [tilespmem:s4+$0xFFFFE0C0];
	v13 =	vadd.f32 v13, v7;
	v15 =	vmul.f32 $8.000000000e+00, v15  }
0x13d: {  	[tilespmem:s2+$0x20] =	vst v12;
	v11 =	vadd.f32 v11, v2;
	v12 =	vld [tilespmem:s4+$0xFFFFE040];
	v8 =	vmul.f32 $8.000000000e+00, v8  }
0x13e: {  	[tilespmem:s2+$0xFFFFFF20] =	vst v13;
	v13 =	vadd.f32 v15, v2;
	v15 =	vld [tilespmem:s4+$0xFFFFE080];
	v9 =	vmul.f32 $8.000000000e+00, v9  }
0x13f: {  	[tilespmem:s0+$0xFFFFFF50] =	vst v11;
	v11 =	vld [tilespmem:s4+$0xFFFFE000];
	v10 =	vmul.f32 $8.000000000e+00, v10;
	v8 =	vadd.f32 v8, v1  }
0x140: {  	[tilespmem:s0+$0x50] =	vst v13;
	v13 =	vld [tilespmem:s13+$0xFFFFE030];
	v14 =	vmul.f32 $8.000000000e+00, v14;
	v9 =	vadd.f32 v9, v1  }
0x141: {  	v16 =	vmul.f32 $8.000000000e+00, v16;
	v17 =	vld [tilespmem:s13+$0xFFFFE0B0];
	v10 =	vadd.f32 v10, v4;
	[tilespmem:s0+$0xE0] =	vst v8  }
0x142: {  	v8 =	vmul.f32 $8.000000000e+00, v12;
	v12 =	vadd.f32 v14, v4;
	[tilespmem:s0+$0xFFFFFFE0] =	vst v9;
	v9 =	vld [tilespmem:s31+$0xF0]  }
0x143: {  	v14 =	vmul.f32 $8.000000000e+00, v15;
	v15 =	vadd.f32 v16, v5;
	[tilespmem:s2+$0xB0] =	vst v10;
	v10 =	vld [tilespmem:s31+$0x20]  }
0x144: {  	s9 =	simm.s32 $0xC700;
	v11 =	vmul.f32 $8.000000000e+00, v11;
	v8 =	vadd.f32 v8, v5;
	[tilespmem:s2+$0xFFFFFFB0] =	vst v12;
	v12 =	vld [tilespmem:s13+$0xC0]  }
0x145: {  	v14 =	vadd.f32 v14, v5;
	[tilespmem:s9+$0x80] =	vst v15;
	v13 =	vmul.f32 $8.000000000e+00, v13;
	v15 =	vld [tilespmem:s13+$0x40]  }
0x146: {  	v16 =	vmul.f32 $8.000000000e+00, v17;
	v11 =	vadd.f32 v11, v5;
	[tilespmem:s9+$0xFFFFFF80] =	vst v8;
	v8 =	vld [tilespmem:s4+$0xFFFFE0D0]  }
0x147: {  	[tilespmem:s9+$0x0] =	vst v14;
	v13 =	vadd.f32 v13, v4;
	v17 =	vld [tilespmem:s4+$0xFFFFE050];
	v9 =	vmul.f32 $8.000000000e+00, v9  }
0x148: {  	v14 =	vadd.f32 v16, v4;
	[tilespmem:s9+$0xFFFFFF00] =	vst v11;
	v11 =	vld [tilespmem:s4+$0xFFFFE090];
	v10 =	vmul.f32 $8.000000000e+00, v10  }
0x149: {  	[tilespmem:s2+$0xFFFFFF30] =	vst v13;
	v16 =	vld [tilespmem:s4+$0xFFFFE010];
	v12 =	vmul.f32 $8.000000000e+00, v12;
	v9 =	vadd.f32 v9, v0  }
0x14a: {  	[tilespmem:s2+$0x30] =	vst v14;
	v13 =	vld [tilespmem:s13+$0x0];
	v15 =	vmul.f32 $8.000000000e+00, v15;
	v10 =	vadd.f32 v10, v1  }
0x14b: {  	v14 =	vld [tilespmem:s13+$0x80];
	v8 =	vmul.f32 $8.000000000e+00, v8;
	v12 =	vadd.f32 v12, v3;
	[tilespmem:s0+$0xF0] =	vst v9  }
0x14c: {  	v9 =	vmul.f32 $8.000000000e+00, v17;
	v15 =	vadd.f32 v15, v3;
	[tilespmem:s0+$0xFFFFFF60] =	vst v10;
	v10 =	vld [tilespmem:s31+$0xA0]  }
0x14d: {  	v11 =	vmul.f32 $8.000000000e+00, v11;
	v8 =	vadd.f32 v8, v6;
	[tilespmem:s2+$0xC0] =	vst v12;
	v12 =	vld [tilespmem:s31+$0x30]  }
0x14e: {  	v16 =	vmul.f32 $8.000000000e+00, v16;
	v9 =	vadd.f32 v9, v6;
	[tilespmem:s2+$0xFFFFFFC0] =	vst v15;
	v15 =	vld [tilespmem:s13+$0xD0]  }
0x14f: {  	v11 =	vadd.f32 v11, v6;
	[tilespmem:s9+$0x90] =	vst v8;
	v8 =	vmul.f32 $8.000000000e+00, v13;
	v13 =	vld [tilespmem:s13+$0x50]  }
0x150: {  	v14 =	vmul.f32 $8.000000000e+00, v14;
	v16 =	vadd.f32 v16, v6;
	[tilespmem:s9+$0xFFFFFF90] =	vst v9;
	v9 =	vld [tilespmem:s4+$0xFFFFE0E0]  }
0x151: {  	v17 =	vld [tilespmem:s4+$0xFFFFE060];
	[tilespmem:s9+$0x10] =	vst v11;
	v8 =	vadd.f32 v8, v3;
	v10 =	vmul.f32 $8.000000000e+00, v10  }
0x152: {  	v14 =	vadd.f32 v14, v3;
	[tilespmem:s9+$0xFFFFFF10] =	vst v16;
	v11 =	vld [tilespmem:s4+$0xFFFFE0A0];
	v12 =	vmul.f32 $8.000000000e+00, v12  }
0x153: {  	v16 =	vld [tilespmem:s4+$0xFFFFE020];
	[tilespmem:s2+$0xFFFFFF40] =	vst v8;
	v8 =	vmul.f32 $8.000000000e+00, v15;
	v10 =	vadd.f32 v10, v1  }
0x154: {  	[tilespmem:s2+$0x40] =	vst v14;
	v15 =	vld [tilespmem:s13+$0x10];
	v13 =	vmul.f32 $8.000000000e+00, v13;
	v12 =	vadd.f32 v12, v0  }
0x155: {  	v14 =	vld [tilespmem:s13+$0x90];
	v9 =	vmul.f32 $8.000000000e+00, v9;
	v8 =	vadd.f32 v8, v2;
	[tilespmem:s0+$0x60] =	vst v10  }
0x156: {  	v10 =	vmul.f32 $8.000000000e+00, v17;
	v13 =	vadd.f32 v13, v2;
	[tilespmem:s0+$0xFFFFFF70] =	vst v12;
	v17 =	vld [tilespmem:s31+$0x70]  }
0x157: {  	v12 =	vmul.f32 $8.000000000e+00, v11;
	v9 =	vadd.f32 v9, v7;
	[tilespmem:s2+$0xD0] =	vst v8;
	v8 =	vld [tilespmem:s31+$0xB0]  }
0x158: {  	v16 =	vmul.f32 $8.000000000e+00, v16;
	v18 =	vadd.f32 v10, v7;
	[tilespmem:s2+$0xFFFFFFD0] =	vst v13;
	v11 =	vld [tilespmem:s13+$0xE0]  }
0x159: {  	v13 =	vadd.f32 v12, v7;
	[tilespmem:s9+$0xA0] =	vst v9;
	v9 =	vmul.f32 $8.000000000e+00, v15;
	v10 =	vld [tilespmem:s13+$0x60]  }
0x15a: {  	v12 =	vmul.f32 $8.000000000e+00, v14;
	v16 =	vadd.f32 v16, v7;
	[tilespmem:s9+$0xFFFFFFA0] =	vst v18;
	v15 =	vld [tilespmem:s4+$0xFFFFE0F0]  }
0x15b: {  	s8 =	simm.s32 $0x8;
	s12 =	simm.s32 $0x6500;
	v14 =	vld [tilespmem:s4+$0xFFFFE070];
	[tilespmem:s9+$0x20] =	vst v13;
	v13 =	vadd.f32 v9, v2;
	v9 =	vmul.f32 $8.000000000e+00, v17  }
.LBB2_14:
0x15c: {  	v17 =	vld [tilespmem:s12+$0xFFFFE0C0];
	s8 =	sadd.s32 $0x4, s8;
	[tilespmem:s9+$0xFFFFFF20] =	vst v16;
	v12 =	vadd.f32 v12, v2;
	v8 =	vmul.f32 $8.000000000e+00, v8  }
0x15d: {  	v16 =	vld [tilespmem:s12+$0xFFFFE040];
	p0 =	slt.u32 s8, $0x7C;
	[tilespmem:s2+$0xFFFFFF50] =	vst v13;
	v11 =	vmul.f32 $8.000000000e+00, v11;
	v9 =	vadd.f32 v9, v0  }
0x15e: {  	v13 =	vld [tilespmem:s12+$0xFFFFE080];
	v10 =	vmul.f32 $8.000000000e+00, v10;
	[tilespmem:s2+$0x50] =	vst v12;
	v8 =	vadd.f32 v8, v0  }
0x15f: {  	v12 =	vld [tilespmem:s12+$0xFFFFE000];
	v15 =	vmul.f32 $8.000000000e+00, v15;
	v11 =	vadd.f32 v11, v1;
	[tilespmem:s0+$0xFFFFFFF0] =	vst v9  }
0x160: {  	v9 =	vld [tilespmem:s4+$0xFFFFE030];
	v14 =	vmul.f32 $8.000000000e+00, v14;
	v10 =	vadd.f32 v10, v1;
	[tilespmem:s0+$0x70] =	vst v8;
	s0 =	smov.u32 s2;
	s2 =	smov.u32 s9  }
0x161: {  	v8 =	vmul.f32 $8.000000000e+00, v17;
	v17 =	vld [tilespmem:s4+$0xFFFFE0B0];
	v15 =	vadd.f32 v15, v4;
	[tilespmem:s0+$0xE0] =	vst v11  }
0x162: {  	v11 =	vmul.f32 $8.000000000e+00, v16;
	v14 =	vadd.f32 v14, v4;
	[tilespmem:s0+$0xFFFFFFE0] =	vst v10;
	v10 =	vld [tilespmem:s13+$0xF0]  }
0x163: {  	v13 =	vmul.f32 $8.000000000e+00, v13;
	v8 =	vadd.f32 v8, v5;
	[tilespmem:s9+$0xB0] =	vst v15;
	v15 =	vld [tilespmem:s13+$0x20]  }
0x164: {  	s9 =	sadd.s32 $0x200, s9;
	v12 =	vmul.f32 $8.000000000e+00, v12;
	v11 =	vadd.f32 v11, v5;
	[tilespmem:s2+$0xFFFFFFB0] =	vst v14;
	v14 =	vld [tilespmem:s4+$0xC0]  }
0x165: {  	v13 =	vadd.f32 v13, v5;
	[tilespmem:s9+$0x80] =	vst v8;
	v8 =	vmul.f32 $8.000000000e+00, v9;
	v9 =	vld [tilespmem:s4+$0x40]  }
0x166: {  	v12 =	vadd.f32 v12, v5;
	[tilespmem:s9+$0xFFFFFF80] =	vst v11;
	v11 =	vld [tilespmem:s12+$0xFFFFE0D0];
	v16 =	vmul.f32 $8.000000000e+00, v17  }
0x167: {  	v17 =	vld [tilespmem:s12+$0xFFFFE050];
	[tilespmem:s9+$0x0] =	vst v13;
	v8 =	vadd.f32 v8, v4;
	v10 =	vmul.f32 $8.000000000e+00, v10  }
0x168: {  	[tilespmem:s9+$0xFFFFFF00] =	vst v12;
	v12 =	vld [tilespmem:s12+$0xFFFFE090];
	v13 =	vadd.f32 v16, v4;
	v15 =	vmul.f32 $8.000000000e+00, v15  }
0x169: {  	v16 =	vld [tilespmem:s12+$0xFFFFE010];
	[tilespmem:s2+$0xFFFFFF30] =	vst v8;
	v8 =	vmul.f32 $8.000000000e+00, v14;
	v10 =	vadd.f32 v10, v0  }
0x16a: {  	v14 =	vld [tilespmem:s4+$0x0];
	v9 =	vmul.f32 $8.000000000e+00, v9;
	[tilespmem:s2+$0x30] =	vst v13;
	v13 =	vadd.f32 v15, v1  }
0x16b: {  	v11 =	vmul.f32 $8.000000000e+00, v11;
	v15 =	vld [tilespmem:s4+$0x80];
	v8 =	vadd.f32 v8, v3;
	[tilespmem:s0+$0xF0] =	vst v10  }
0x16c: {  	v10 =	vmul.f32 $8.000000000e+00, v17;
	v9 =	vadd.f32 v9, v3;
	[tilespmem:s0+$0xFFFFFF60] =	vst v13;
	v13 =	vld [tilespmem:s13+$0xA0]  }
0x16d: {  	v12 =	vmul.f32 $8.000000000e+00, v12;
	v11 =	vadd.f32 v11, v6;
	[tilespmem:s2+$0xC0] =	vst v8;
	v8 =	vld [tilespmem:s13+$0x30]  }
0x16e: {  	v16 =	vmul.f32 $8.000000000e+00, v16;
	v10 =	vadd.f32 v10, v6;
	[tilespmem:s2+$0xFFFFFFC0] =	vst v9;
	v9 =	vld [tilespmem:s4+$0xD0]  }
0x16f: {  	v12 =	vadd.f32 v12, v6;
	[tilespmem:s9+$0x90] =	vst v11;
	v11 =	vmul.f32 $8.000000000e+00, v14;
	v14 =	vld [tilespmem:s4+$0x50]  }
0x170: {  	v16 =	vadd.f32 v16, v6;
	[tilespmem:s9+$0xFFFFFF90] =	vst v10;
	v10 =	vld [tilespmem:s12+$0xFFFFE0E0];
	v15 =	vmul.f32 $8.000000000e+00, v15  }
0x171: {  	v17 =	vld [tilespmem:s12+$0xFFFFE060];
	[tilespmem:s9+$0x10] =	vst v12;
	v11 =	vadd.f32 v11, v3;
	v12 =	vmul.f32 $8.000000000e+00, v13  }
0x172: {  	[tilespmem:s9+$0xFFFFFF10] =	vst v16;
	v13 =	vld [tilespmem:s12+$0xFFFFE0A0];
	v15 =	vadd.f32 v15, v3;
	v8 =	vmul.f32 $8.000000000e+00, v8  }
0x173: {  	v16 =	vld [tilespmem:s12+$0xFFFFE020];
	[tilespmem:s2+$0xFFFFFF40] =	vst v11;
	v9 =	vmul.f32 $8.000000000e+00, v9;
	v11 =	vadd.f32 v12, v1  }
0x174: {  	v12 =	vld [tilespmem:s4+$0x10];
	v14 =	vmul.f32 $8.000000000e+00, v14;
	[tilespmem:s2+$0x40] =	vst v15;
	v8 =	vadd.f32 v8, v0  }
0x175: {  	v10 =	vmul.f32 $8.000000000e+00, v10;
	v18 =	vld [tilespmem:s4+$0x90];
	v9 =	vadd.f32 v9, v2;
	[tilespmem:s0+$0x60] =	vst v11  }
0x176: {  	v11 =	vmul.f32 $8.000000000e+00, v17;
	v14 =	vadd.f32 v14, v2;
	[tilespmem:s0+$0xFFFFFF70] =	vst v8;
	v17 =	vld [tilespmem:s13+$0x70]  }
.Ltmp7:
0x177: {  	v13 =	vmul.f32 $8.000000000e+00, v13;
	v10 =	vadd.f32 v10, v7;
	[tilespmem:s2+$0xD0] =	vst v9;
	v8 =	vld [tilespmem:s13+$0xB0];
	s13 =	smov.u32 s4;
	s4 =	smov.u32 s12;
	(pc) =	sbr.rel @p0 .LBB2_14-.Ltmp7, $4  }
0x178: {  	v9 =	vmul.f32 $8.000000000e+00, v16;
	v15 =	vadd.f32 v11, v7;
	[tilespmem:s2+$0xFFFFFFD0] =	vst v14;
	v11 =	vld [tilespmem:s13+$0xE0]  }
0x179: {  	v13 =	vadd.f32 v13, v7;
	[tilespmem:s9+$0xA0] =	vst v10;
	v19 =	vmul.f32 $8.000000000e+00, v12;
	v10 =	vld [tilespmem:s13+$0x60]  }
0x17a: {  	v16 =	vadd.f32 v9, v7;
	[tilespmem:s9+$0xFFFFFFA0] =	vst v15;
	v15 =	vld [tilespmem:s12+$0xFFFFE0F0];
	v12 =	vmul.f32 $8.000000000e+00, v18  }
0x17b: {  	s12 =	sadd.s32 $0x100, s12;
	v14 =	vld [tilespmem:s4+$0xFFFFE070];
	[tilespmem:s9+$0x20] =	vst v13;
	v13 =	vadd.f32 v19, v2;
	v9 =	vmul.f32 $8.000000000e+00, v17  }
0x17c: {  	[tilespmem:s9+$0xFFFFFF20] =	vst v16;
	v6 =	vld [tilespmem:s4+$0xFFFFE0B0]  }
0x17d: {  	v5 =	vld [tilespmem:s4+$0xFFFFE030];
	_ =	sdelay $0x1  }
0x17e: {  	v7 =	vmul.f32 $8.000000000e+00, v15  }
0x17f: {  	v14 =	vmul.f32 $8.000000000e+00, v14  }
0x180: {  	v7 =	vadd.f32 v7, v4;
	v6 =	vmul.f32 $8.000000000e+00, v6  }
0x181: {  	v5 =	vmul.f32 $8.000000000e+00, v5;
	v26 =	vadd.f32 v14, v4  }
0x182: {  	[tilespmem:s9+$0xB0] =	vst v7;
	v27 =	vadd.f32 v6, v4  }
0x183: {  	v5 =	vadd.f32 v5, v4;
	v28 =	vld [tilespmem:s4+$0xC0];
	[tilespmem:s9+$0xFFFFFFB0] =	vst v26  }
0x184: {  	v7 =	vld [tilespmem:s4+$0x40];
	[tilespmem:s9+$0x30] =	vst v27  }
0x185: {  	[tilespmem:s9+$0xFFFFFF30] =	vst v5;
	v4 =	vld [tilespmem:s4+$0x80]  }
0x186: {  	v5 =	vld [tilespmem:s4+$0x0];
	_ =	sdelay $0x1  }
0x187: {  	v6 =	vmul.f32 $8.000000000e+00, v28  }
0x188: {  	v7 =	vmul.f32 $8.000000000e+00, v7  }
0x189: {  	v6 =	vadd.f32 v6, v3;
	v4 =	vmul.f32 $8.000000000e+00, v4  }
0x18a: {  	v5 =	vmul.f32 $8.000000000e+00, v5;
	v7 =	vadd.f32 v7, v3  }
0x18b: {  	[tilespmem:s9+$0xC0] =	vst v6;
	v29 =	vadd.f32 v4, v3  }
0x18c: {  	v5 =	vadd.f32 v5, v3;
	v6 =	vld [tilespmem:s4+$0xD0];
	[tilespmem:s9+$0xFFFFFFC0] =	vst v7  }
0x18d: {  	v31 =	vld [tilespmem:s4+$0x50];
	[tilespmem:s9+$0x40] =	vst v29  }
0x18e: {  	v32 =	vadd.f32 v12, v2;
	[tilespmem:s9+$0xFFFFFF40] =	vst v5;
	v3 =	vld [tilespmem:s4+$0x90]  }
0x18f: {  	v30 =	vld [tilespmem:s4+$0x10]  }
0x190: {  	[tilespmem:s2+$0x50] =	vst v32  }
0x191: {  	v7 =	vld [tilespmem:s13+$0xA0];
	v6 =	vmul.f32 $8.000000000e+00, v6  }
0x192: {  	v5 =	vmul.f32 $8.000000000e+00, v31  }
0x193: {  	[tilespmem:s2+$0xFFFFFF50] =	vst v13;
	v6 =	vadd.f32 v6, v2;
	v3 =	vmul.f32 $8.000000000e+00, v3  }
0x194: {  	v33 =	vld [tilespmem:s13+$0x20];
	v4 =	vmul.f32 $8.000000000e+00, v30;
	v5 =	vadd.f32 v5, v2  }
0x195: {  	[tilespmem:s9+$0xD0] =	vst v6;
	v34 =	vadd.f32 v3, v2  }
0x196: {  	v7 =	vmul.f32 $8.000000000e+00, v7;
	v4 =	vadd.f32 v4, v2;
	v6 =	vld [tilespmem:s4+$0xE0];
	[tilespmem:s9+$0xFFFFFFD0] =	vst v5  }
0x197: {  	v37 =	vld [tilespmem:s4+$0x60];
	[tilespmem:s9+$0x50] =	vst v34  }
0x198: {  	v35 =	vmul.f32 $8.000000000e+00, v11;
	v42 =	vadd.f32 v7, v1;
	[tilespmem:s9+$0xFFFFFF50] =	vst v4;
	v39 =	vld [tilespmem:s4+$0xA0]  }
0x199: {  	v36 =	vmul.f32 $8.000000000e+00, v33;
	v4 =	vld [tilespmem:s4+$0x20]  }
0x19a: {  	v38 =	vmul.f32 $8.000000000e+00, v10;
	v3 =	vadd.f32 v35, v1;
	[tilespmem:s2+$0x60] =	vst v42  }
0x19b: {  	v5 =	vadd.f32 v36, v1;
	v46 =	vld [tilespmem:s13+$0xB0];
	v40 =	vmul.f32 $8.000000000e+00, v6  }
0x19c: {  	v2 =	vadd.f32 v38, v1;
	[tilespmem:s2+$0xE0] =	vst v3;
	v44 =	vmul.f32 $8.000000000e+00, v37  }
0x19d: {  	v41 =	vld [tilespmem:s13+$0xF0];
	[tilespmem:s2+$0xFFFFFF60] =	vst v5;
	v3 =	vadd.f32 v40, v1;
	v10 =	vmul.f32 $8.000000000e+00, v39  }
0x19e: {  	[tilespmem:s2+$0xFFFFFFE0] =	vst v2;
	v43 =	vld [tilespmem:s13+$0x30];
	v4 =	vmul.f32 $8.000000000e+00, v4;
	v7 =	vadd.f32 v44, v1  }
0x19f: {  	v45 =	vld [tilespmem:s13+$0x70];
	[tilespmem:s9+$0xE0] =	vst v3;
	v49 =	vadd.f32 v10, v1  }
0x1a0: {  	v55 =	vmul.f32 $8.000000000e+00, v46;
	v4 =	vadd.f32 v4, v1;
	v48 =	vld [tilespmem:s4+$0xF0];
	[tilespmem:s9+$0xFFFFFFE0] =	vst v7  }
0x1a1: {  	v47 =	vmul.f32 $8.000000000e+00, v8;
	v50 =	vadd.f32 v9, v0;
	[tilespmem:s9+$0x60] =	vst v49;
	v52 =	vld [tilespmem:s4+$0x70]  }
0x1a2: {  	v6 =	vmul.f32 $8.000000000e+00, v41;
	v58 =	vadd.f32 v55, v0;
	[tilespmem:s9+$0xFFFFFF60] =	vst v4;
	v54 =	vld [tilespmem:s4+$0xB0]  }
0x1a3: {  	[tilespmem:s0+$0xFFFFFFF0] =	vst v50;
	v2 =	vmul.f32 $8.000000000e+00, v43;
	v3 =	vadd.f32 v47, v0;
	v51 =	vld [tilespmem:s4+$0x30]  }
0x1a4: {  	v5 =	vmul.f32 $8.000000000e+00, v45;
	v53 =	vadd.f32 v6, v0;
	[tilespmem:s2+$0x70] =	vst v58  }
0x1a5: {  	v2 =	vadd.f32 v2, v0;
	[tilespmem:s0+$0x70] =	vst v3;
	v57 =	vmul.f32 $8.000000000e+00, v48  }
0x1a6: {  	s14 =	sshll.u32 s30, $0x5;
	v56 =	vadd.f32 v5, v0;
	[tilespmem:s2+$0xF0] =	vst v53;
	v1 =	vmul.f32 $8.000000000e+00, v52  }
0x1a7: {  	s0 =	sand.u32 $0xF80, s14;
	[tilespmem:s2+$0xFFFFFF70] =	vst v2;
	v60 =	vadd.f32 v57, v0;
	v62 =	vmul.f32 $8.000000000e+00, v54  }
0x1a8: {  	[tilespmem:s2+$0xFFFFFFF0] =	vst v56;
	s0 =	smul.u32 $0x6400, s0;
	v59 =	vmul.f32 $8.000000000e+00, v51;
	v1 =	vadd.f32 v1, v0  }
0x1a9: {  	s30 =	sshll.u32 s29, $0x7;
	[tilespmem:s9+$0xF0] =	vst v60;
	v63 =	vadd.f32 v62, v0  }
0x1aa: {  	s0 =	sadd.s32 s0, s30;
	v61 =	vadd.f32 v59, v0;
	[tilespmem:s9+$0xFFFFFFF0] =	vst v1  }
0x1ab: {  	s0 =	sshrl.u32 s0, $0x3;
	[tilespmem:s9+$0x70] =	vst v63  }
0x1ac: {  	s31 =	simm.s32 $0xC200;
	s2 =	simm.s32 $0x200;
	s0 =	sadd.s32 s7, s0;
	[tilespmem:s9+$0xFFFFFF70] =	vst v61  }
0x1ad: {  	[hbm4b:s0+s21] =	stream.strided.scatter [tilespmem:s31], [sflag:$0x6], $0x80, s22, s21, $0x38;
	[tilespmem:$0x13400] =	vst v63  }
.LBB2_16:
0x1ae: {  	p0 =	sne.s32 s2, $0xFE00  }
.Ltmp8:
0x1af: {  	_ = 	snop;
	(pc) =	sbr.rel @p0 .LBB2_16-.Ltmp8, $4  }
0x1b0: {  	_ = 	snop  }
0x1b1: {  	s4 =	sshra.s32 s2, $0x2;
	s2 =	sadd.s32 $0x200, s2  }
0x1b2: {  	s0 =	sadd.s32 $0xC80, s0;
	s4 =	sadd.s32 $0xC200, s4  }
0x1b3: {  	[hbm4b:s0+s21] =	stream.strided.scatter [tilespmem:s4], [sflag:$0x6], $0x80, s22, s21, $0x38;
	[tilespmem:$0x13400] =	vst v63  }
0x1b4: {  	s28 =	sadd.s32 $0x1, s28  }
0x1b5: {  	p0 =	sne.s32 s28, $0x32  }
.Ltmp9:
0x1b6: {  	_ = 	snop;
	(pc) =	sbr.rel @p0 .LBB2_2-.Ltmp9, $1  }
0x1b7: {  	_ =	sdelay $0x3  }
0x1b8: {  	_ =	swait.ge [sflag:s25], $0x4000  }
0x1b9: {  	[sflag:s25] =	ssyncset.done $0x0  }
0x1ba: {  	[sflag:s25] =	ssyncadd.s32 $0xFFFFC000  }
0x1bb: {  	_ =	swait.ge [sflag:s24], $0x4000  }
0x1bc: {  	s26 =	sadd.s32 $0x1, s26;
	s0 =	rddreg [dreg:$0x6]  }
0x1bd: {  	p0 =	sne.s32 s26, s0  }
.Ltmp10:
0x1be: {  	_ = 	snop;
	(pc) =	sbr.rel @p0 .LBB2_1-.Ltmp10, $3  }
0x1bf: {  	_ =	sdelay $0x1  }
0x1c0: {  	[sflag:s24] =	ssyncset.done $0x0  }
0x1c1: {  	[sflag:s24] =	ssyncadd.s32 $0xFFFFC000  }
0x1c2: {  	_ =	sfence.sel $0x180000  }
0x1c3: {  	[bflag:$0x0] =	sbarrier.arrive $0xFFFF  }
0x1c4: {  	_ =	strace $0x90000047  }
0x1c5: {  	s0 =	stileid.u32;
	[bflag:$0x2] =	sbarrier.arrive $0xFFFF  }
0x1c6: {  	p0 =	sne.s32 s0, $0x0;
	s0 =	rddreg [dreg:$0x2]  }
0x1c7: {  	s0 =	sadd.s32 @!p0 $0x100000, s0  }
0x1c8: {  	[sflag:s0] =	ssyncadd.tile.s32 @!p0 $0x1;
	_ =	shalt  }
.Lfunc_end2:
_tile_overlayer_lowered:
.L_overlay_start_2:
0x1c9: {  	(tag) =	ssettag $0x2  }
0x1ca: {  	s0 =	rddreg [dreg:$0x0];
	s2 =	stileid.u32  }
0x1cb: {  	s1 =	rddreg [dreg:$0x1];
	p0 =	sne.s32 s2, $0x0  }
0x1cc: {  	s3 =	rddreg [dreg:$0x2];
	[bflag:$0x3] =	sbarrier.arrive $0xFFFF;
	s2 =	simm.s32 @!p0 $0x1C07  }
0x1cd: {  	[timem:s3], [sflag:s2] =	dma.local @!p0 [hbm:s0], s1  }
0x1ce: {  	s0 =	simm.s32 @!p0 $0x7  }
0x1cf: {  	_ =	swait.ge @!p0 [sflag:s0], s1  }
0x1d0: {  	s1 =	ssub.s32 @!p0 $0x0, s1;
	[sflag:s0] =	ssyncset.done @!p0 $0x0  }
0x1d1: {  	[sflag:s0] =	ssyncadd.s32 @!p0 s1  }
0x1d2: {  	[bflag:$0x3] =	sbarrier.arrive $0xFFFF  }
0x1d3: {  	_ =	shalt  }

// kernel: sparse-core-data-format-call.cloned.1.call-start
scs
called_computation_lowered:
.L_overlay_start_0:
0x0: {  	s2 =	sld [smem:$0x3FD9]  }
0x1: {  	s3 =	sld [smem:$0x3FFE];
	_ =	sdelay $0x1  }
0x2: {  	s1 =	srdreg.scid  }
0x3: {  	s0 =	sand.u32 $0x1, s1  }
0x4: {  	s18 =	sshll.u32 s0, $0xA;
	s2 =	sadd.s32 s3, s2  }
0x5: {  	s2 =	sadd.s32 s2, s18  }
0x6: {  	[smem:$0x3FC5] =	sst s2  }
0x7: {  	_ = 	snop  }
0x8: {  	s2 =	sld [smem:$0x3FD0];
	(tm) =	ssettm $0x1  }
0x9: {  	s19 =	sld [smem:$0x3FFB];
	_ =	sdelay $0x3  }
0xa: {  	_ =	strace s19  }
0xb: {  	s3 =	sld [smem:$0x3FFC];
	_ =	sdelay $0x3  }
0xc: {  	_ =	strace s3  }
0xd: {  	s3 =	sld [smem:$0x3FFD];
	_ =	sdelay $0x3  }
0xe: {  	_ =	strace s3  }
0xf: {  	_ =	strace $0x8FFFFFFF  }
0x10: {  	s20 =	sld [smem:$0x3FDB];
	_ =	sdelay $0x1  }
0x11: {  	s4 =	simm.s32 $_scs_section_size  }
0x12: {  	s5 =	simm.s32 $_size__tile_overlayer_lowered;
	s6 =	simm.s32 $_tile_overlayer_lowered  }
0x13: {  	s23 =	simm.s32 $0x1BFF;
	s22 =	sshll.u32 s6, $0x1;
	s3 =	sadd.s32 s4, s20  }
0x14: {  	s7 =	simm.s32 $0x0;
	s21 =	sshll.u32 s5, $0x1;
	s5 =	sadd.s32 s22, s3  }
0x15: {  	[timem:s7], [sflag:s23] =	dma.local [hbm:s5], s21  }
0x16: {  	_ =	swait.ge [sflag:s23], s21  }
0x17: {  	s4 =	ssub.s32 $0x0, s21;
	[sflag:s23] =	ssyncset.done $0x0  }
0x18: {  	[sflag:s23] =	ssyncadd.s32 s4;
	_ =	sdelay $0x1  }
0x19: {  	s24 =	simm.s32 $0x1B8B  }
0x1a: {  	_ =	swait.ge [sflag:s24], $0x1  }
0x1b: {  	[sflag:s24] =	ssyncset.done $0x0  }
0x1c: {  	s26 =	simm.s32 $0x1B8E;
	s25 =	sld [smem:$0x3FFE];
	[sflag:s24] =	ssyncadd.s32 $0xFFFFFFFF  }
0x1d: {  	s27 =	simm.s32 $execute0_lowered;
	[smem:$0x3FD2] =	sst s26  }
0x1e: {  	s5 =	sshll.u32 s27, $0x1;
	_ =	strace $0x80000049;
	[dreg:$0x1] =	wrdreg $0xFFFFFFFF  }
0x1f: {  	s28 =	simm.s32 $_size_execute0_lowered;
	s3 =	sadd.s32 s3, s5;
	[dreg:$0x0] =	wrdreg $0x0  }
0x20: {  	s5 =	sshll.u32 s28, $0x1;
	[dreg:$0x2] =	wrdreg s3  }
0x21: {  	[dreg:$0x3] =	wrdreg s5  }
0x22: {  	[dreg:$0x4] =	wrdreg $0xC0  }
0x23: {  	_ =	task [dreg:s7], $0x5FFFF  }
0x24: {  	[dreg:$0x1] =	wrdreg $0xFFFFFFFF  }
0x25: {  	[dreg:$0x0] =	wrdreg $0x60  }
0x26: {  	[dreg:$0x2] =	wrdreg s25  }
0x27: {  	[dreg:$0x3] =	wrdreg s2  }
0x28: {  	[dreg:$0x4] =	wrdreg $0x9  }
0x29: {  	_ =	task.clear_ibuf [dreg:s7], $0x5FFFF;
	_ =	strace $0x90000049  }
0x2a: {  	s29 =	simm.s32 $0x9;
	_ =	strace $0x8000004B  }
0x2b: {  	_ =	swait.ge [sflag:s29], $0x1  }
0x2c: {  	[sflag:s29] =	ssyncadd.s32 $0xFFFFFFFF  }
0x2d: {  	_ =	strace $0x9000004B  }
0x2e: {  	_ =	sfence  }
0x2f: {  	s30 =	sld [smem:$0x0];
	_ =	sdelay $0x2  }
0x30: {  	s31 =	sshll.u32 s1, $0xD;
	s1 =	sshrl.u32 s1, $0x2  }
0x31: {  	s3 =	sand.u32 $0x4000, s31;
	s1 =	sadd.s32 s1, s30  }
0x32: {  	s0 =	sor.u32 s3, s0;
	s1 =	sshll.u32 s1, $0x11  }
0x33: {  	s0 =	sor.u32 s1, s0  }
0x34: {  	s0 =	sadd.s32 $0x8F2B, s0  }
0x35: {  	[sflag:s0] =	ssyncadd.remote.s32 $0x1  }
0x36: {  	_ =	sfence.sel $0xFFFF  }
0x37: {  	[dreg:$0x0] =	wrdreg $0xFFFFFFFF;
	(pc) =	sbr.abs _section_cstart, $3  }
0x38: {  	[dreg:$0x1] =	wrdreg $0xFFFFFFFF  }
0x39: {  	_ =	task.clear_ibuf [dreg:s7], $0x2FFFF;
	_ =	strace $0x9FFFFFFF  }
0x3a: {  	(tm) =	ssettm $0x7FFFFFFF  }
0x3b: {  	_ =	shalt  }
tec
execute0_lowered:
.L_overlay_start_1:
0x0: {  	(tag) =	ssettag $0x1  }
0x1: {  	s0 =	srdreg.scid  }
0x2: {  	s1 =	sshll.u32 s0, $0x4  }
0x3: {  	s0 =	stileid.u32;
	s1 =	sand.u32 $0x10, s1  }
0x4: {  	s1 =	sor.u32 s0, s1  }
0x5: {  	s6 =	rddreg [dreg:$0x0];
	s4 =	simm.s32 $0x1;
	s2 =	sshll.u32 s1, $0x7  }
0x6: {  	s7 =	simm.s32 $0x2;
	s12 =	simm.s32 $0x0;
	s1 =	ssub.s32 $0x1000, s2  }
0x7: {  	s8 =	simm.s32 $0x8000;
	s13 =	simm.s32 $0x0;
	s3 =	sand.u32 $0xF80, s1  }
0x8: {  	s9 =	simm.s32 $0x0;
	s5 =	sshrl.u32 s1, $0xC;
	p0 =	sne.s32 s3, $0x0  }
.Ltmp0:
0x9: {  	s1 =	rddreg [dreg:$0x2];
	s4 =	simm.s32 @!p0 $0x0;
	(pc) =	sbr.rel .LBB1_1-.Ltmp0, $4  }
0xa: {  	s11 =	simm.s32 $0x0;
	s3 =	rddreg [dreg:$0x1];
	s5 =	sadd.s32 s4, s5  }
0xb: {  	_ =	strace $0x8000004A;
	s4 =	simm.s32 $0x1;
	s5 =	smul.u32 $0xC8, s5  }
0xc: {  	s6 =	sadd.s32 $0x7A9000, s6;
	s10 =	smov.u32 s2;
	[sflag:s4] =	ssyncpa.u1 $0x0  }
0xd: {  	p0 =	por $0x0, $0x0;
	[sflag:s7] =	ssyncpa.u1 $0x0;
	s7 =	sor.u32 $0x1, s5  }
.LBB1_4:
0xe: {  	s16 =	sshll.u32 s13, $0x3;
	s17 =	sand.u32 $0x78, s13  }
0xf: {  	s30 =	sand.u32 $0x7E00, s13;
	s12 =	sshll.u32 s12, $0xF;
	s16 =	sand.u32 $0xC00, s16  }
0x10: {  	[tilespmem:s15+$0x810 ss:$0x81] =	vst.msk $0xffff, v2;
	s31 =	sand.u32 $0x7, s13;
	s16 =	sor.u32 s17, s16;
	s17 =	sadd.s32 s3, s30  }
0x11: {  	[tilespmem:s15+$0x1020 ss:$0x81] =	vst.msk $0xffff, v0;
	s13 =	sshll.u32 s31, $0x12;
	s12 =	sadd.s32 s12, s17;
	s16 =	sshrl.u32 s16, $0x3  }
0x12: {  	[tilespmem:s15+$0x0 ss:$0x81] =	vst.msk $0xffff, v1;
	s13 =	sor.u32 $0x400, s13;
	s12 =	sadd.s32 s16, s12  }
0x13: {  	[hbm4b:s12+s13] =	stream.strided.scatter [tilespmem:s14], [sflag:$0x2], $0x2000, s8, s13, $0x20;
	[tilespmem:$0x8080] =	vst v63  }
.LBB1_5:
0x14: {  	s14 =	sadd.s32 $0x1, s9  }
0x15: {  	s12 =	sadd.s32 $0x1000, s10;
	s16 =	smov.u32 s10;
	p2 =	sgt.s32 s14, $0xC7  }
0x16: {  	s16 =	smov.u32 @p2 s12  }
0x17: {  	s14 =	simm.s32 @p2 $0x0;
	p2 =	sgt.s32 s16, $0xFFF  }
0x18: {  	s16 =	smov.u32 @p2 s2;
	p2 =	sne.s32 s11, s7  }
.Ltmp1:
0x19: {  	p1 =	slt.u32 s11, $0x2;
	(pc) =	sbr.rel @!p2 .LBB1_6-.Ltmp1, $4  }
0x1a: {  	s15 =	simm.s32 @!p1 $0x2  }
0x1b: {  	s13 =	smov.u32 s10;
	p0 =	por !p0, !p0;
	_ =	swait.ge @!p1 [sflag:s15], $0x2000  }
0x1c: {  	s12 =	smov.u32 s9;
	[sflag:s15] =	ssyncset.done @!p1 $0x0;
	s9 =	smov.u32 s14  }
0x1d: {  	s11 =	sadd.s32 $0x1, s11;
	[sflag:s15] =	ssyncadd.s32 @!p1 $0xFFFFE000;
	s10 =	smov.u32 s16  }
.LBB1_1:
0x1e: {  	p1 =	sge.u32 s11, s5  }
0x1f: {  	s14 =	sand.u32 @!p1 $0x1FFFFFF, s9  }
0x20: {  	s15 =	smulhi.u32 @!p1 $0x147AE15, s14;
	_ =	sdelay $0x1  }
0x21: {  	s15 =	smul.u32 @!p1 $0xC8, s15  }
0x22: {  	s16 =	sxor.u32 @!p1 $0xFFFFFFFF, s11;
	s17 =	smul.u32 @!p1 $0xC80, s10  }
0x23: {  	s31 =	sadd.s32 $0xFFFFFFFF, s11;
	s16 =	sshll.u32 @!p1 s16, $0xD;
	s14 =	ssub.s32 @!p1 s14, s15  }
0x24: {  	s15 =	sand.u32 @!p1 $0x2000, s16;
	s16 =	sadd.s32 @!p1 s6, s17;
	s14 =	sshll.u32 @!p1 s14, $0x4  }
0x25: {  	s17 =	simm.s32 @!p1 $0x6400;
	s14 =	sadd.s32 @!p1 s14, s16;
	s16 =	simm.s32 @!p1 $0x40  }
0x26: {  	[tilespmem:s15], [sflag:$0x1] =	stream.strided.gather @!p1 [hbm4b:s14+s16], $0x2000, s17, s16, $0x38;
	[tilespmem:$0x8080] =	vst v63  }
0x27: {  	p1 =	sge.u32 s31, s5  }
.Ltmp2:
0x28: {  	_ = 	snop;
	(pc) =	sbr.rel @p1 .LBB1_5-.Ltmp2, $1  }
0x29: {  	_ =	sdelay $0x3  }
0x2a: {  	s14 =	simm.s32 $0x1  }
0x2b: {  	_ =	swait.ge [sflag:s4], $0x2000;
	s14 =	simm.s32 @!p0 $0x0  }
0x2c: {  	[sflag:s4] =	ssyncset.done $0x0;
	s15 =	sshll.u32 s14, $0xD  }
0x2d: {  	[sflag:s4] =	ssyncadd.s32 $0xFFFFE000;
	s18 =	sor.u32 $0x20, s15  }
0x2e: {  	s14 =	smul.u32 $0x8100, s14;
	v3 =	vld [tilespmem:s18+$0x10]  }
0x2f: {  	s30 =	sand.u32 $0x1, s11;
	v2 =	vld [tilespmem:s18+$0xFFFFFFF0]  }
0x30: {  	s15 =	smul.u32 $0x8100, s30;
	s14 =	sshrl.u32 s14, $0x2;
	v0 =	vld [tilespmem:s18+$0x0]  }
0x31: {  	v1 =	vld [tilespmem:s18+$0xFFFFFFE0];
	s16 =	sor.u32 $0x4000, s14  }
0x32: {  	s31 =	sshrl.u32 s15, $0x2;
	s15 =	sadd.s32 $0x0, s16  }
0x33: {  	s17 =	simm.s32 $0x4;
	s18 =	sadd.s32 $0x40, s18;
	s14 =	sor.u32 $0x4000, s31;
	[tilespmem:s15+$0x1830 ss:$0x81] =	vst.msk $0xffff, v3  }
.LBB1_3:
0x34: {  	v3 =	vld [tilespmem:s18+$0x10];
	p1 =	sne.s32 s17, $0x1FC;
	[tilespmem:s15+$0x810 ss:$0x81] =	vst.msk $0xffff, v2;
	s19 =	smov.u32 s17;
	s17 =	sadd.s32 $0x4, s17  }
.Ltmp3:
0x35: {  	v2 =	vld [tilespmem:s18+$0xFFFFFFF0];
	[tilespmem:s15+$0x1020 ss:$0x81] =	vst.msk $0xffff, v0;
	(pc) =	sbr.rel @p1 .LBB1_3-.Ltmp3, $4  }
0x36: {  	v0 =	vld [tilespmem:s18+$0x0];
	[tilespmem:s15+$0x0 ss:$0x81] =	vst.msk $0xffff, v1  }
0x37: {  	s15 =	sshra.s32 s19, $0x2;
	v1 =	vld [tilespmem:s18+$0xFFFFFFE0]  }
0x38: {  	s15 =	sadd.s32 s15, s16  }
0x39: {  	s18 =	sadd.s32 $0x40, s18;
	[tilespmem:s15+$0x1830 ss:$0x81] =	vst.msk $0xffff, v3  }
.Ltmp4:
0x3a: {  	_ = 	snop;
	(pc) =	sbr.rel .LBB1_4-.Ltmp4, $1  }
0x3b: {  	_ =	sdelay $0x3  }
.LBB1_6:
0x3c: {  	_ =	sfence.sel $0x180000  }
0x3d: {  	s2 =	simm.s32 $0x1;
	[bflag:$0x0] =	sbarrier.arrive $0xFFFF  }
0x3e: {  	s31 =	simm.s32 $0x2;
	[sflag:s2] =	ssyncpa.u1 $0x1  }
0x3f: {  	[sflag:s31] =	ssyncpa.u1 $0x1  }
0x40: {  	p0 =	sne.s32 s0, $0x0;
	_ =	strace $0x9000004A  }
0x41: {  	s0 =	sadd.s32 @!p0 $0x100000, s1;
	[bflag:$0x2] =	sbarrier.arrive $0xFFFF  }
0x42: {  	[sflag:s0] =	ssyncadd.tile.s32 @!p0 $0x1;
	_ =	shalt  }
.Lfunc_end1:
_tile_overlayer_lowered:
.L_overlay_start_2:
0x43: {  	(tag) =	ssettag $0x2  }
0x44: {  	s0 =	rddreg [dreg:$0x0];
	s2 =	stileid.u32  }
0x45: {  	s1 =	rddreg [dreg:$0x1];
	p0 =	sne.s32 s2, $0x0  }
0x46: {  	s3 =	rddreg [dreg:$0x2];
	[bflag:$0x3] =	sbarrier.arrive $0xFFFF;
	s2 =	simm.s32 @!p0 $0x1C01  }
0x47: {  	[timem:s3], [sflag:s2] =	dma.local @!p0 [hbm:s0], s1  }
0x48: {  	s0 =	simm.s32 @!p0 $0x1  }
0x49: {  	_ =	swait.ge @!p0 [sflag:s0], s1  }
0x4a: {  	s1 =	ssub.s32 @!p0 $0x0, s1;
	[sflag:s0] =	ssyncset.done @!p0 $0x0  }
0x4b: {  	[sflag:s0] =	ssyncadd.s32 @!p0 s1  }
0x4c: {  	[bflag:$0x3] =	sbarrier.arrive $0xFFFF  }
0x4d: {  	_ =	shalt  }

</sc_bundles>
